<compile_context>
chip_gen: v7x
topology: tpu7x:2x2x1
jax: 0.10.2.dev20260603
libtpu: 0.0.44.dev20260713+nightly
codegen_flags: <defaults>
</compile_context>

<pallas_src>
import functools

import numpy as np

import jax
import jax.numpy as jnp
from jax import lax
from jax.experimental import pallas as pl
from jax.experimental.pallas import tpu as pltpu
from jax.experimental.pallas import tpu_sc as plsc

VOCAB = 1000000
D = 16
D_ATT = 16
N_NEGS = 20
PAD_IDX = 0
B = 1024
L = 50
K = N_NEGS + 1

KP = 24
LP = 56
KG = KP // 8
BB = 128

NQ = B * KP
NP = B * LP
NW = 32
QW = NQ // NW
PW = NP // NW
CH = 128


def _gather_body(tvec, cvec, tidx, cidx, qout, pout,
                 idx_q, idx_c, buf0, buf1, sem0, sem1):
    wid = lax.axis_index("s") * 2 + lax.axis_index("c")
    qb = wid * QW
    cb = wid * PW
    pltpu.sync_copy(tidx.at[pl.ds(qb, QW)], idx_q)
    pltpu.sync_copy(cidx.at[pl.ds(cb, PW)], idx_c)
    bufs = (buf0, buf1)
    sems = (sem0, sem1)
    jobs = [(tvec, idx_q, i * CH, qout, qb + i * CH)
            for i in range(QW // CH)]
    jobs += [(cvec, idx_c, i * CH, pout, cb + i * CH)
             for i in range(PW // CH)]

    def fire(j, slot):
        tab, idxr, base, _, _ = jobs[j]
        return pltpu.async_copy(
            tab.at[idxr.at[pl.ds(base, CH)]], bufs[slot], sems[slot])

    pend = fire(0, 0)
    for j in range(len(jobs)):
        nxt = fire(j + 1, (j + 1) % 2) if j + 1 < len(jobs) else None
        pend.wait()
        _, _, _, out, obase = jobs[j]
        pltpu.sync_copy(bufs[j % 2], out.at[pl.ds(obase, CH)])
        pend = nxt


def _gather_call(tvectors, cvectors, tidx, cidx):
    mesh = plsc.VectorSubcoreMesh(core_axis_name="c", subcore_axis_name="s")
    f = functools.partial(
        pl.kernel,
        mesh=mesh,
        out_type=(
            jax.ShapeDtypeStruct((NQ, D), jnp.float32),
            jax.ShapeDtypeStruct((NP, D), jnp.float32),
        ),
        scratch_types=[
            pltpu.VMEM((QW,), jnp.int32),
            pltpu.VMEM((PW,), jnp.int32),
            pltpu.VMEM((CH, D), jnp.float32),
            pltpu.VMEM((CH, D), jnp.float32),
            pltpu.SemaphoreType.DMA,
            pltpu.SemaphoreType.DMA,
        ],
        compiler_params=pltpu.CompilerParams(use_tc_tiling_on_sc=True),
    )(_gather_body)
    return f(tvectors, cvectors, tidx, cidx)


def _dense_body(cm_ref, q_ref, p_ref, wd_ref, bt_ref, h8_ref,
                r_ref, g_ref, s_ref, pm_ref, out_ref):
    f32 = jnp.float32
    laneg = jax.lax.broadcasted_iota(jnp.int32, (8, 128), 1) >> 4
    gmask = (laneg == jax.lax.broadcasted_iota(jnp.int32, (8, 128), 0))
    pexp = jnp.broadcast_to(p_ref[...][:, None, :], (BB * LP // 8, 8, 128))
    psel = pexp * gmask.astype(f32)[None, :, :]
    p_t = jnp.dot(psel.reshape(BB * LP, 128), s_ref[...],
                  preferred_element_type=f32).reshape(BB, LP, 128)
    q8 = q_ref[...].reshape(BB, KG, 128)
    prod = q8[:, :, None, :] * p_t[:, None, :, :]
    prod2 = prod.reshape(BB * KG * LP, 128)
    hid = jnp.dot(prod2, wd_ref[...], preferred_element_type=f32)
    hid = jnp.maximum(hid + bt_ref[...], 0.0)
    sc = jnp.dot(hid, h8_ref[...], preferred_element_type=f32)
    sc = sc.reshape(BB, KG, LP, 8)
    cm = cm_ref[...]
    mask = (cm == PAD_IDX).reshape(BB, 1, LP, 1)
    sc = jnp.where(mask, -1e9, sc)
    m = jnp.max(sc, axis=2, keepdims=True)
    e = jnp.exp(sc - m)
    attn = e * (1.0 / jnp.sum(e, axis=2, keepdims=True))
    a_l = jnp.dot(attn.reshape(BB * KG * LP, 8), r_ref[...],
                  preferred_element_type=f32).reshape(BB, KG, LP, 128)
    sub = jnp.sum(a_l * p_t[:, None, :, :], axis=2)
    sims = []
    for kgp in range(KG):
        qr_kgp = jnp.zeros((BB, 128), f32)
        for kg in range(KG):
            qr_kgp = qr_kgp + jnp.dot(q8[:, kg, :], pm_ref[kg, :, kgp, :],
                                      preferred_element_type=f32)
        sp = sub[:, kgp, :] * qr_kgp
        sims.append(jnp.dot(sp, g_ref[...],
                            preferred_element_type=f32)[:, None, :])
    sim = jnp.concatenate(sims, axis=1)
    kidx = (jax.lax.broadcasted_iota(jnp.int32, (KG, 8), 0) * 8
            + jax.lax.broadcasted_iota(jnp.int32, (KG, 8), 1))
    sim = jnp.where((kidx >= K)[None, :, :], -1e30, sim)
    sm = jnp.max(jnp.max(sim, axis=2, keepdims=True), axis=1, keepdims=True)
    es = jnp.exp(sim - sm)
    den = jnp.sum(jnp.sum(es, axis=2, keepdims=True), axis=1, keepdims=True)
    soft0 = es[:, 0:1, 0:1] / den + 1e-6
    part = -jnp.sum(jnp.log(soft0))
    prev = jnp.where(pl.program_id(0) == 0, 0.0, out_ref[0, 0])
    out_ref[0, 0] = prev + part


def _dense_call(cm, q128, p128, Wd8, bt, H8, R8, G8, S8, PM, *,
                nb=B, interpret=False):
    nblk = nb // BB
    return pl.pallas_call(
        _dense_body,
        grid=(nblk,),
        in_specs=[
            pl.BlockSpec((BB * LP, 1), lambda i: (i, 0)),
            pl.BlockSpec((BB * KG, 128), lambda i: (i, 0)),
            pl.BlockSpec((BB * LP // 8, 128), lambda i: (i, 0)),
            pl.BlockSpec((128, 128), lambda i: (0, 0)),
            pl.BlockSpec((1, 128), lambda i: (0, 0)),
            pl.BlockSpec((128, 8), lambda i: (0, 0)),
            pl.BlockSpec((8, 128), lambda i: (0, 0)),
            pl.BlockSpec((128, 8), lambda i: (0, 0)),
            pl.BlockSpec((128, 128), lambda i: (0, 0)),
            pl.BlockSpec((KG, 128, KG, 128), lambda i: (0, 0, 0, 0)),
        ],
        out_specs=pl.BlockSpec(memory_space=pltpu.SMEM),
        out_shape=jax.ShapeDtypeStruct((1, 1), jnp.float32),
        interpret=interpret,
    )(cm, q128, p128, Wd8, bt, H8, R8, G8, S8, PM)


def _perm_matrix():
    perm = np.zeros((KG, 128, KG, 128), np.float32)
    for kp in range(K):
        kgp, jp = divmod(kp, 8)
        for dp in range(D):
            s = dp * K + kp
            perm[s // 128, s % 128, kgp, jp * 16 + dp] = 1.0
    return jnp.asarray(perm)


def kernel(batch_titems, batch_citems, tvectors, cvectors, W_att, b_att, h_att):
    f32 = jnp.float32
    i32 = jnp.int32
    neg_key = jax.random.key(12345)
    batch_nitems = jax.random.randint(neg_key, (B, N_NEGS), 0, VOCAB)
    titems_full = jnp.concatenate(
        [batch_titems.reshape(-1, 1), batch_nitems], axis=1
    )
    tidx = jnp.pad(titems_full, ((0, 0), (0, KP - K))).reshape(NQ).astype(i32)
    cidx = jnp.pad(batch_citems, ((0, 0), (0, LP - L))).reshape(NP).astype(i32)
    q128 = jnp.take(tvectors, tidx, axis=0).reshape(NQ // 8, 128)
    p128 = jnp.take(cvectors, cidx, axis=0).reshape(NP // 8, 128)
    eye8 = jnp.eye(8, dtype=f32)
    Wd8 = jnp.kron(eye8, W_att.astype(f32))
    bt = jnp.tile(b_att.astype(f32), 8).reshape(1, 128)
    H8 = jnp.kron(eye8, h_att.astype(f32).reshape(D_ATT, 1))
    R8 = jnp.kron(eye8, jnp.ones((1, 16), f32))
    G8 = jnp.kron(eye8, jnp.ones((16, 1), f32))
    S8 = jnp.kron(jnp.ones((8, 8), f32), jnp.eye(D, dtype=f32))
    out = _dense_call(cidx.reshape(NP, 1), q128, p128,
                      Wd8, bt, H8, R8, G8, S8, _perm_matrix())
    return out[0, 0]

# --- scband reference (transcript-rebuilt; emitter-appended) ---
"""Pipeline reference for scband-sgns-66924180406356 (READ-ONLY COPY).

The authoritative reference and input builder live on the scoring server;
editing this copy changes nothing except your own understanding.
"""

import jax, jax.numpy as jnp
import numpy as np

VOCAB = 1000000
D = 16
D_ATT = 16
N_NEGS = 20
PAD_IDX = 0
B = 1024
L = 50


def setup_inputs(seed: int = 0) -> dict:
    key = jax.random.key(seed)
    ks = jax.random.split(key, 8)
    batch_titems = jax.random.randint(ks[0], (B,), 0, VOCAB)
    batch_citems = jax.random.randint(ks[1], (B, L), 0, VOCAB)
    tvectors = jax.random.normal(ks[2], (VOCAB, D), dtype=jnp.float32) * 0.02
    cvectors = jax.random.normal(ks[3], (VOCAB, D), dtype=jnp.float32) * 0.02
    W_att = jax.random.normal(ks[4], (D, D_ATT), dtype=jnp.float32) * 0.1
    b_att = jnp.zeros((D_ATT,), dtype=jnp.float32)
    h_att = jax.random.normal(ks[5], (D_ATT,), dtype=jnp.float32) * 0.1
    return {
        "batch_titems": batch_titems,
        "batch_citems": batch_citems,
        "tvectors": tvectors,
        "cvectors": cvectors,
        "W_att": W_att,
        "b_att": b_att,
        "h_att": h_att,
    }


def reference(batch_titems, batch_citems, tvectors, cvectors, W_att, b_att, h_att):
    b = batch_titems.shape[0]
    # negative sampling (weights=None branch: uniform over vocab)
    neg_key = jax.random.key(12345)
    batch_nitems = jax.random.randint(neg_key, (b, N_NEGS), 0, VOCAB)
    # concat positive target with negatives -> [B, K]
    titems_full = jnp.concatenate([batch_titems.reshape(-1, 1), batch_nitems], axis=1)
    K = titems_full.shape[1]
    mask_pad = batch_citems == PAD_IDX  # [B, L]
    # NAIS base model: attention over user history items per target item
    q = jnp.take(tvectors, titems_full, axis=0)   # [B, K, D] target embeddings
    p = jnp.take(cvectors, batch_citems, axis=0)  # [B, L, D] context embeddings
    prod = p[:, None, :, :] * q[:, :, None, :]    # [B, K, L, D]
    hid = jax.nn.relu(jnp.einsum('bkld,de->bkle', prod, W_att) + b_att)  # [B,K,L,D_ATT]
    scores = jnp.einsum('bkle,e->bkl', hid, h_att)  # [B, K, L]
    scores = jnp.where(mask_pad[:, None, :], -1e9, scores)
    attn = jax.nn.softmax(scores, axis=-1)
    batch_sub_users = jnp.einsum('bkl,bld->bkd', attn, p)  # [B, K, D]
    batch_tvecs = q  # forward_t(batch_titems) -> [B, K, D]
    # similarity: diag(bmm(sub_users, tvecs.view(B, D, K)))  (view, not transpose, kept faithful)
    reshaped = batch_tvecs.reshape(b, D, K)
    sim = jnp.einsum('bkj,bjk->bk', batch_sub_users, reshaped)  # [B, K]
    # CCE loss
    soft = jax.nn.softmax(sim, axis=1) + 1e-6
    loss = -jnp.sum(jnp.log(soft[:, 0]))
    return loss

if __name__ == "__main__":
    import jax
    _d = setup_inputs()
    print(jax.jit(kernel)(*tuple(_d.values())))

</pallas_src>

<mosaic_0001>
module attributes {stable_mosaic.version = 14 : i64} {
  func.func @_dense_body(%arg0: i32, %arg1: memref<7168x1xi32, #tpu.memory_space<vmem>>, %arg2: memref<384x128xf32, #tpu.memory_space<vmem>>, %arg3: memref<896x128xf32, #tpu.memory_space<vmem>>, %arg4: memref<128x128xf32, #tpu.memory_space<vmem>>, %arg5: memref<1x128xf32, #tpu.memory_space<vmem>>, %arg6: memref<128x8xf32, #tpu.memory_space<vmem>>, %arg7: memref<8x128xf32, #tpu.memory_space<vmem>>, %arg8: memref<128x8xf32, #tpu.memory_space<vmem>>, %arg9: memref<128x128xf32, #tpu.memory_space<vmem>>, %arg10: memref<3x128x3x128xf32, #tpu.memory_space<vmem>>, %arg11: memref<1x1xf32, #tpu.memory_space<smem>>) attributes {dimension_semantics = [#tpu.dimension_semantics<arbitrary>], iteration_bounds = array<i64: 8>, scalar_prefetch = 0 : i64, scratch_operands = 0 : i64, tpu.core_type = #tpu.core_type<tc>, window_params = [{transform_indices = @transform_0, window_bounds = array<i64: 7168, 1>}, {transform_indices = @transform_1, window_bounds = array<i64: 384, 128>}, {transform_indices = @transform_2, window_bounds = array<i64: 896, 128>}, {pipeline_mode = #tpu.pipeline_mode<synchronous>, transform_indices = @transform_3, window_bounds = array<i64: 128, 128>}, {pipeline_mode = #tpu.pipeline_mode<synchronous>, transform_indices = @transform_4, window_bounds = array<i64: 1, 128>}, {pipeline_mode = #tpu.pipeline_mode<synchronous>, transform_indices = @transform_5, window_bounds = array<i64: 128, 8>}, {pipeline_mode = #tpu.pipeline_mode<synchronous>, transform_indices = @transform_6, window_bounds = array<i64: 8, 128>}, {pipeline_mode = #tpu.pipeline_mode<synchronous>, transform_indices = @transform_7, window_bounds = array<i64: 128, 8>}, {pipeline_mode = #tpu.pipeline_mode<synchronous>, transform_indices = @transform_8, window_bounds = array<i64: 128, 128>}, {pipeline_mode = #tpu.pipeline_mode<synchronous>, transform_indices = @transform_9, window_bounds = array<i64: 3, 128, 3, 128>}, {transform_indices = @transform_10, window_bounds = array<i64: 1, 1>}]} {
    %iota3A = tpu.iota {dimensions = array<i32: 1>} : vector<8x128xi32>
    %shift_right_arithmetic3A = arith.constant 4 : i32
    %shift_right_arithmetic3A_0 = vector.broadcast %shift_right_arithmetic3A : i32 to vector<8x128xi32>
    %shift_right_arithmetic3A_1 = arith.shrsi %iota3A, %shift_right_arithmetic3A_0 : vector<8x128xi32>
    %iota3A_2 = tpu.iota {dimensions = array<i32: 0>} : vector<8x128xi32>
    %eq3A = arith.cmpi eq, %shift_right_arithmetic3A_1, %iota3A_2 : vector<8x128xi32>
    %get3A = arith.constant 0 : index
    %get3A_3 = arith.constant 0 : index
    %get3A_4 = vector.load %arg3[%get3A, %get3A_3] : memref<896x128xf32, #tpu.memory_space<vmem>>, vector<896x128xf32>
    %broadcast_in_dim3A = vector.shape_cast %get3A_4 : vector<896x128xf32> to vector<896x1x128xf32>
    %broadcast_in_dim3A_5 = vector.shape_cast %broadcast_in_dim3A : vector<896x1x128xf32> to vector<896x1x128xf32>
    %broadcast_in_dim3A_6 = vector.broadcast %broadcast_in_dim3A_5 : vector<896x1x128xf32> to vector<896x8x128xf32>
    %convert_element_type3A = arith.extui %eq3A : vector<8x128xi1> to vector<8x128xi32>
    %convert_element_type3A_7 = arith.sitofp %convert_element_type3A : vector<8x128xi32> to vector<8x128xf32>
    %broadcast_in_dim3A_8 = vector.shape_cast %convert_element_type3A_7 : vector<8x128xf32> to vector<1x8x128xf32>
    %mul3A = vector.broadcast %broadcast_in_dim3A_8 : vector<1x8x128xf32> to vector<896x8x128xf32>
    %mul3A_9 = arith.mulf %broadcast_in_dim3A_6, %mul3A : vector<896x8x128xf32>
    %reshape3A = vector.shape_cast %mul3A_9 : vector<896x8x128xf32> to vector<7168x128xf32>
    %get3A_10 = arith.constant 0 : index
    %get3A_11 = arith.constant 0 : index
    %get3A_12 = vector.load %arg9[%get3A_10, %get3A_11] : memref<128x128xf32, #tpu.memory_space<vmem>>, vector<128x128xf32>
    %dot_general3A = arith.constant dense<0.000000e+00> : vector<7168x128xf32>
    %dot_general3A_13 = tpu.matmul %reshape3A, %get3A_12, %dot_general3A {dimension_numbers = #tpu.dot_dimension_numbers<[1], [0], [0], [1], [0, 0, 1, 1], [], []>, transpose_lhs_hint = false} : vector<7168x128xf32>, vector<128x128xf32>, vector<7168x128xf32> -> vector<7168x128xf32>
    %reshape3A_14 = vector.shape_cast %dot_general3A_13 : vector<7168x128xf32> to vector<128x56x128xf32>
    %get3A_15 = arith.constant 0 : index
    %get3A_16 = arith.constant 0 : index
    %get3A_17 = vector.load %arg2[%get3A_15, %get3A_16] : memref<384x128xf32, #tpu.memory_space<vmem>>, vector<384x128xf32>
    %reshape3A_18 = vector.shape_cast %get3A_17 : vector<384x128xf32> to vector<128x3x128xf32>
    %broadcast_in_dim3A_19 = vector.shape_cast %reshape3A_18 : vector<128x3x128xf32> to vector<128x3x1x128xf32>
    %broadcast_in_dim3A_20 = vector.shape_cast %reshape3A_14 : vector<128x56x128xf32> to vector<128x1x56x128xf32>
    %mul3A_21 = vector.broadcast %broadcast_in_dim3A_19 : vector<128x3x1x128xf32> to vector<128x3x56x128xf32>
    %mul3A_22 = vector.broadcast %broadcast_in_dim3A_20 : vector<128x1x56x128xf32> to vector<128x3x56x128xf32>
    %mul3A_23 = arith.mulf %mul3A_21, %mul3A_22 : vector<128x3x56x128xf32>
    %reshape3A_24 = vector.shape_cast %mul3A_23 : vector<128x3x56x128xf32> to vector<21504x128xf32>
    %get3A_25 = arith.constant 0 : index
    %get3A_26 = arith.constant 0 : index
    %get3A_27 = vector.load %arg4[%get3A_25, %get3A_26] : memref<128x128xf32, #tpu.memory_space<vmem>>, vector<128x128xf32>
    %dot_general3A_28 = arith.constant dense<0.000000e+00> : vector<21504x128xf32>
    %dot_general3A_29 = tpu.matmul %reshape3A_24, %get3A_27, %dot_general3A_28 {dimension_numbers = #tpu.dot_dimension_numbers<[1], [0], [0], [1], [0, 0, 1, 1], [], []>, transpose_lhs_hint = false} : vector<21504x128xf32>, vector<128x128xf32>, vector<21504x128xf32> -> vector<21504x128xf32>
    %get3A_30 = arith.constant 0 : index
    %get3A_31 = arith.constant 0 : index
    %get3A_32 = vector.load %arg5[%get3A_30, %get3A_31] : memref<1x128xf32, #tpu.memory_space<vmem>>, vector<1x128xf32>
    %add3A = vector.broadcast %get3A_32 : vector<1x128xf32> to vector<21504x128xf32>
    %add3A_33 = arith.addf %dot_general3A_29, %add3A : vector<21504x128xf32>
    %max3A = arith.constant 0.000000e+00 : f32
    %max3A_34 = vector.broadcast %max3A : f32 to vector<21504x128xf32>
    %max3A_35 = arith.maximumf %add3A_33, %max3A_34 : vector<21504x128xf32>
    %get3A_36 = arith.constant 0 : index
    %get3A_37 = arith.constant 0 : index
    %get3A_38 = vector.load %arg6[%get3A_36, %get3A_37] : memref<128x8xf32, #tpu.memory_space<vmem>>, vector<128x8xf32>
    %dot_general3A_39 = arith.constant dense<0.000000e+00> : vector<21504x8xf32>
    %dot_general3A_40 = tpu.matmul %max3A_35, %get3A_38, %dot_general3A_39 {dimension_numbers = #tpu.dot_dimension_numbers<[1], [0], [0], [1], [0, 0, 1, 1], [], []>, transpose_lhs_hint = false} : vector<21504x128xf32>, vector<128x8xf32>, vector<21504x8xf32> -> vector<21504x8xf32>
    %reshape3A_41 = vector.shape_cast %dot_general3A_40 : vector<21504x8xf32> to vector<128x3x56x8xf32>
    %get3A_42 = arith.constant 0 : index
    %get3A_43 = arith.constant 0 : index
    %get3A_44 = vector.load %arg1[%get3A_42, %get3A_43] : memref<7168x1xi32, #tpu.memory_space<vmem>>, vector<7168x1xi32>
    %eq3A_45 = arith.constant 0 : i32
    %eq3A_46 = vector.broadcast %eq3A_45 : i32 to vector<7168x1xi32>
    %eq3A_47 = arith.cmpi eq, %get3A_44, %eq3A_46 : vector<7168x1xi32>
    %reshape3A_48 = vector.shape_cast %eq3A_47 : vector<7168x1xi1> to vector<128x1x56x1xi1>
    %jit3A = arith.constant -1.000000e+09 : f32
    %broadcast_in_dim3A_49 = vector.shape_cast %reshape3A_48 : vector<128x1x56x1xi1> to vector<128x1x56x1xi1>
    %broadcast_in_dim3A_50 = vector.broadcast %broadcast_in_dim3A_49 : vector<128x1x56x1xi1> to vector<128x3x56x8xi1>
    %broadcast_in_dim3A_51 = vector.broadcast %jit3A : f32 to vector<128x3x56x8xf32>
    %select_n3A = arith.select %broadcast_in_dim3A_50, %broadcast_in_dim3A_51, %reshape3A_41 : vector<128x3x56x8xi1>, vector<128x3x56x8xf32>
    %reduce_max3A = arith.constant dense<0xFF800000> : vector<128x3x8xf32>
    %reduce_max3A_52 = vector.multi_reduction <maximumf>, %select_n3A, %reduce_max3A [2] : vector<128x3x56x8xf32> to vector<128x3x8xf32>
    %broadcast_in_dim3A_53 = vector.shape_cast %reduce_max3A_52 : vector<128x3x8xf32> to vector<128x3x1x8xf32>
    %sub3A = vector.broadcast %broadcast_in_dim3A_53 : vector<128x3x1x8xf32> to vector<128x3x56x8xf32>
    %sub3A_54 = arith.subf %select_n3A, %sub3A : vector<128x3x56x8xf32>
    %exp3A = math.exp %sub3A_54 : vector<128x3x56x8xf32>
    %reduce_sum3A = arith.constant dense<0.000000e+00> : vector<128x3x8xf32>
    %reduce_sum3A_55 = vector.multi_reduction <add>, %exp3A, %reduce_sum3A [2] : vector<128x3x56x8xf32> to vector<128x3x8xf32>
    %broadcast_in_dim3A_56 = vector.shape_cast %reduce_sum3A_55 : vector<128x3x8xf32> to vector<128x3x1x8xf32>
    %div3A = arith.constant 1.000000e+00 : f32
    %div3A_57 = vector.broadcast %div3A : f32 to vector<128x3x1x8xf32>
    %div3A_58 = arith.divf %div3A_57, %broadcast_in_dim3A_56 : vector<128x3x1x8xf32>
    %mul3A_59 = vector.broadcast %div3A_58 : vector<128x3x1x8xf32> to vector<128x3x56x8xf32>
    %mul3A_60 = arith.mulf %exp3A, %mul3A_59 : vector<128x3x56x8xf32>
    %reshape3A_61 = vector.shape_cast %mul3A_60 : vector<128x3x56x8xf32> to vector<21504x8xf32>
    %get3A_62 = arith.constant 0 : index
    %get3A_63 = arith.constant 0 : index
    %get3A_64 = vector.load %arg7[%get3A_62, %get3A_63] : memref<8x128xf32, #tpu.memory_space<vmem>>, vector<8x128xf32>
    %dot_general3A_65 = arith.constant dense<0.000000e+00> : vector<21504x128xf32>
    %dot_general3A_66 = tpu.matmul %reshape3A_61, %get3A_64, %dot_general3A_65 {dimension_numbers = #tpu.dot_dimension_numbers<[1], [0], [0], [1], [0, 0, 1, 1], [], []>, transpose_lhs_hint = false} : vector<21504x8xf32>, vector<8x128xf32>, vector<21504x128xf32> -> vector<21504x128xf32>
    %reshape3A_67 = vector.shape_cast %dot_general3A_66 : vector<21504x128xf32> to vector<128x3x56x128xf32>
    %broadcast_in_dim3A_68 = vector.shape_cast %reshape3A_14 : vector<128x56x128xf32> to vector<128x1x56x128xf32>
    %mul3A_69 = vector.broadcast %broadcast_in_dim3A_68 : vector<128x1x56x128xf32> to vector<128x3x56x128xf32>
    %mul3A_70 = arith.mulf %reshape3A_67, %mul3A_69 : vector<128x3x56x128xf32>
    %reduce_sum3A_71 = arith.constant dense<0.000000e+00> : vector<128x3x128xf32>
    %reduce_sum3A_72 = vector.multi_reduction <add>, %mul3A_70, %reduce_sum3A_71 [2] : vector<128x3x56x128xf32> to vector<128x3x128xf32>
    %broadcast_in_dim3A_73 = arith.constant 0.000000e+00 : f32
    %broadcast_in_dim3A_74 = vector.broadcast %broadcast_in_dim3A_73 : f32 to vector<128x128xf32>
    %slice3A = vector.extract_strided_slice %reshape3A_18 {offsets = [0, 0, 0], sizes = [128, 1, 128], strides = [1, 1, 1]} : vector<128x3x128xf32> to vector<128x1x128xf32>
    %squeeze3A = vector.shape_cast %slice3A : vector<128x1x128xf32> to vector<128x128xf32>
    %get3A_75 = arith.constant 0 : index
    %get3A_76 = arith.constant 0 : index
    %get3A_77 = arith.constant 0 : index
    %get3A_78 = arith.constant 0 : index
    %get3A_79 = vector.load %arg10[%get3A_75, %get3A_76, %get3A_77, %get3A_78] : memref<3x128x3x128xf32, #tpu.memory_space<vmem>>, vector<1x128x1x128xf32>
    %get3A_80 = vector.shape_cast %get3A_79 : vector<1x128x1x128xf32> to vector<128x128xf32>
    %dot_general3A_81 = arith.constant dense<0.000000e+00> : vector<128x128xf32>
    %dot_general3A_82 = tpu.matmul %squeeze3A, %get3A_80, %dot_general3A_81 {dimension_numbers = #tpu.dot_dimension_numbers<[1], [0], [0], [1], [0, 0, 1, 1], [], []>, transpose_lhs_hint = false} : vector<128x128xf32>, vector<128x128xf32>, vector<128x128xf32> -> vector<128x128xf32>
    %add3A_83 = arith.addf %broadcast_in_dim3A_74, %dot_general3A_82 : vector<128x128xf32>
    %slice3A_84 = vector.extract_strided_slice %reshape3A_18 {offsets = [0, 1, 0], sizes = [128, 1, 128], strides = [1, 1, 1]} : vector<128x3x128xf32> to vector<128x1x128xf32>
    %squeeze3A_85 = vector.shape_cast %slice3A_84 : vector<128x1x128xf32> to vector<128x128xf32>
    %get3A_86 = arith.constant 1 : index
    %get3A_87 = arith.constant 0 : index
    %get3A_88 = arith.constant 0 : index
    %get3A_89 = arith.constant 0 : index
    %get3A_90 = vector.load %arg10[%get3A_86, %get3A_87, %get3A_88, %get3A_89] : memref<3x128x3x128xf32, #tpu.memory_space<vmem>>, vector<1x128x1x128xf32>
    %get3A_91 = vector.shape_cast %get3A_90 : vector<1x128x1x128xf32> to vector<128x128xf32>
    %dot_general3A_92 = arith.constant dense<0.000000e+00> : vector<128x128xf32>
    %dot_general3A_93 = tpu.matmul %squeeze3A_85, %get3A_91, %dot_general3A_92 {dimension_numbers = #tpu.dot_dimension_numbers<[1], [0], [0], [1], [0, 0, 1, 1], [], []>, transpose_lhs_hint = false} : vector<128x128xf32>, vector<128x128xf32>, vector<128x128xf32> -> vector<128x128xf32>
    %add3A_94 = arith.addf %add3A_83, %dot_general3A_93 : vector<128x128xf32>
    %slice3A_95 = vector.extract_strided_slice %reshape3A_18 {offsets = [0, 2, 0], sizes = [128, 1, 128], strides = [1, 1, 1]} : vector<128x3x128xf32> to vector<128x1x128xf32>
    %squeeze3A_96 = vector.shape_cast %slice3A_95 : vector<128x1x128xf32> to vector<128x128xf32>
    %get3A_97 = arith.constant 2 : index
    %get3A_98 = arith.constant 0 : index
    %get3A_99 = arith.constant 0 : index
    %get3A_100 = arith.constant 0 : index
    %get3A_101 = vector.load %arg10[%get3A_97, %get3A_98, %get3A_99, %get3A_100] : memref<3x128x3x128xf32, #tpu.memory_space<vmem>>, vector<1x128x1x128xf32>
    %get3A_102 = vector.shape_cast %get3A_101 : vector<1x128x1x128xf32> to vector<128x128xf32>
    %dot_general3A_103 = arith.constant dense<0.000000e+00> : vector<128x128xf32>
    %dot_general3A_104 = tpu.matmul %squeeze3A_96, %get3A_102, %dot_general3A_103 {dimension_numbers = #tpu.dot_dimension_numbers<[1], [0], [0], [1], [0, 0, 1, 1], [], []>, transpose_lhs_hint = false} : vector<128x128xf32>, vector<128x128xf32>, vector<128x128xf32> -> vector<128x128xf32>
    %add3A_105 = arith.addf %add3A_94, %dot_general3A_104 : vector<128x128xf32>
    %slice3A_106 = vector.extract_strided_slice %reduce_sum3A_72 {offsets = [0, 0, 0], sizes = [128, 1, 128], strides = [1, 1, 1]} : vector<128x3x128xf32> to vector<128x1x128xf32>
    %squeeze3A_107 = vector.shape_cast %slice3A_106 : vector<128x1x128xf32> to vector<128x128xf32>
    %mul3A_108 = arith.mulf %squeeze3A_107, %add3A_105 : vector<128x128xf32>
    %get3A_109 = arith.constant 0 : index
    %get3A_110 = arith.constant 0 : index
    %get3A_111 = vector.load %arg8[%get3A_109, %get3A_110] : memref<128x8xf32, #tpu.memory_space<vmem>>, vector<128x8xf32>
    %dot_general3A_112 = arith.constant dense<0.000000e+00> : vector<128x8xf32>
    %dot_general3A_113 = tpu.matmul %mul3A_108, %get3A_111, %dot_general3A_112 {dimension_numbers = #tpu.dot_dimension_numbers<[1], [0], [0], [1], [0, 0, 1, 1], [], []>, transpose_lhs_hint = false} : vector<128x128xf32>, vector<128x8xf32>, vector<128x8xf32> -> vector<128x8xf32>
    %broadcast_in_dim3A_114 = vector.shape_cast %dot_general3A_113 : vector<128x8xf32> to vector<128x1x8xf32>
    %broadcast_in_dim3A_115 = arith.constant 0.000000e+00 : f32
    %broadcast_in_dim3A_116 = vector.broadcast %broadcast_in_dim3A_115 : f32 to vector<128x128xf32>
    %slice3A_117 = vector.extract_strided_slice %reshape3A_18 {offsets = [0, 0, 0], sizes = [128, 1, 128], strides = [1, 1, 1]} : vector<128x3x128xf32> to vector<128x1x128xf32>
    %squeeze3A_118 = vector.shape_cast %slice3A_117 : vector<128x1x128xf32> to vector<128x128xf32>
    %get3A_119 = arith.constant 0 : index
    %get3A_120 = arith.constant 0 : index
    %get3A_121 = arith.constant 1 : index
    %get3A_122 = arith.constant 0 : index
    %get3A_123 = vector.load %arg10[%get3A_119, %get3A_120, %get3A_121, %get3A_122] : memref<3x128x3x128xf32, #tpu.memory_space<vmem>>, vector<1x128x1x128xf32>
    %get3A_124 = vector.shape_cast %get3A_123 : vector<1x128x1x128xf32> to vector<128x128xf32>
    %dot_general3A_125 = arith.constant dense<0.000000e+00> : vector<128x128xf32>
    %dot_general3A_126 = tpu.matmul %squeeze3A_118, %get3A_124, %dot_general3A_125 {dimension_numbers = #tpu.dot_dimension_numbers<[1], [0], [0], [1], [0, 0, 1, 1], [], []>, transpose_lhs_hint = false} : vector<128x128xf32>, vector<128x128xf32>, vector<128x128xf32> -> vector<128x128xf32>
    %add3A_127 = arith.addf %broadcast_in_dim3A_116, %dot_general3A_126 : vector<128x128xf32>
    %slice3A_128 = vector.extract_strided_slice %reshape3A_18 {offsets = [0, 1, 0], sizes = [128, 1, 128], strides = [1, 1, 1]} : vector<128x3x128xf32> to vector<128x1x128xf32>
    %squeeze3A_129 = vector.shape_cast %slice3A_128 : vector<128x1x128xf32> to vector<128x128xf32>
    %get3A_130 = arith.constant 1 : index
    %get3A_131 = arith.constant 0 : index
    %get3A_132 = arith.constant 1 : index
    %get3A_133 = arith.constant 0 : index
    %get3A_134 = vector.load %arg10[%get3A_130, %get3A_131, %get3A_132, %get3A_133] : memref<3x128x3x128xf32, #tpu.memory_space<vmem>>, vector<1x128x1x128xf32>
    %get3A_135 = vector.shape_cast %get3A_134 : vector<1x128x1x128xf32> to vector<128x128xf32>
    %dot_general3A_136 = arith.constant dense<0.000000e+00> : vector<128x128xf32>
    %dot_general3A_137 = tpu.matmul %squeeze3A_129, %get3A_135, %dot_general3A_136 {dimension_numbers = #tpu.dot_dimension_numbers<[1], [0], [0], [1], [0, 0, 1, 1], [], []>, transpose_lhs_hint = false} : vector<128x128xf32>, vector<128x128xf32>, vector<128x128xf32> -> vector<128x128xf32>
    %add3A_138 = arith.addf %add3A_127, %dot_general3A_137 : vector<128x128xf32>
    %slice3A_139 = vector.extract_strided_slice %reshape3A_18 {offsets = [0, 2, 0], sizes = [128, 1, 128], strides = [1, 1, 1]} : vector<128x3x128xf32> to vector<128x1x128xf32>
    %squeeze3A_140 = vector.shape_cast %slice3A_139 : vector<128x1x128xf32> to vector<128x128xf32>
    %get3A_141 = arith.constant 2 : index
    %get3A_142 = arith.constant 0 : index
    %get3A_143 = arith.constant 1 : index
    %get3A_144 = arith.constant 0 : index
    %get3A_145 = vector.load %arg10[%get3A_141, %get3A_142, %get3A_143, %get3A_144] : memref<3x128x3x128xf32, #tpu.memory_space<vmem>>, vector<1x128x1x128xf32>
    %get3A_146 = vector.shape_cast %get3A_145 : vector<1x128x1x128xf32> to vector<128x128xf32>
    %dot_general3A_147 = arith.constant dense<0.000000e+00> : vector<128x128xf32>
    %dot_general3A_148 = tpu.matmul %squeeze3A_140, %get3A_146, %dot_general3A_147 {dimension_numbers = #tpu.dot_dimension_numbers<[1], [0], [0], [1], [0, 0, 1, 1], [], []>, transpose_lhs_hint = false} : vector<128x128xf32>, vector<128x128xf32>, vector<128x128xf32> -> vector<128x128xf32>
    %add3A_149 = arith.addf %add3A_138, %dot_general3A_148 : vector<128x128xf32>
    %slice3A_150 = vector.extract_strided_slice %reduce_sum3A_72 {offsets = [0, 1, 0], sizes = [128, 1, 128], strides = [1, 1, 1]} : vector<128x3x128xf32> to vector<128x1x128xf32>
    %squeeze3A_151 = vector.shape_cast %slice3A_150 : vector<128x1x128xf32> to vector<128x128xf32>
    %mul3A_152 = arith.mulf %squeeze3A_151, %add3A_149 : vector<128x128xf32>
    %get3A_153 = arith.constant 0 : index
    %get3A_154 = arith.constant 0 : index
    %get3A_155 = vector.load %arg8[%get3A_153, %get3A_154] : memref<128x8xf32, #tpu.memory_space<vmem>>, vector<128x8xf32>
    %dot_general3A_156 = arith.constant dense<0.000000e+00> : vector<128x8xf32>
    %dot_general3A_157 = tpu.matmul %mul3A_152, %get3A_155, %dot_general3A_156 {dimension_numbers = #tpu.dot_dimension_numbers<[1], [0], [0], [1], [0, 0, 1, 1], [], []>, transpose_lhs_hint = false} : vector<128x128xf32>, vector<128x8xf32>, vector<128x8xf32> -> vector<128x8xf32>
    %broadcast_in_dim3A_158 = vector.shape_cast %dot_general3A_157 : vector<128x8xf32> to vector<128x1x8xf32>
    %broadcast_in_dim3A_159 = arith.constant 0.000000e+00 : f32
    %broadcast_in_dim3A_160 = vector.broadcast %broadcast_in_dim3A_159 : f32 to vector<128x128xf32>
    %slice3A_161 = vector.extract_strided_slice %reshape3A_18 {offsets = [0, 0, 0], sizes = [128, 1, 128], strides = [1, 1, 1]} : vector<128x3x128xf32> to vector<128x1x128xf32>
    %squeeze3A_162 = vector.shape_cast %slice3A_161 : vector<128x1x128xf32> to vector<128x128xf32>
    %get3A_163 = arith.constant 0 : index
    %get3A_164 = arith.constant 0 : index
    %get3A_165 = arith.constant 2 : index
    %get3A_166 = arith.constant 0 : index
    %get3A_167 = vector.load %arg10[%get3A_163, %get3A_164, %get3A_165, %get3A_166] : memref<3x128x3x128xf32, #tpu.memory_space<vmem>>, vector<1x128x1x128xf32>
    %get3A_168 = vector.shape_cast %get3A_167 : vector<1x128x1x128xf32> to vector<128x128xf32>
    %dot_general3A_169 = arith.constant dense<0.000000e+00> : vector<128x128xf32>
    %dot_general3A_170 = tpu.matmul %squeeze3A_162, %get3A_168, %dot_general3A_169 {dimension_numbers = #tpu.dot_dimension_numbers<[1], [0], [0], [1], [0, 0, 1, 1], [], []>, transpose_lhs_hint = false} : vector<128x128xf32>, vector<128x128xf32>, vector<128x128xf32> -> vector<128x128xf32>
    %add3A_171 = arith.addf %broadcast_in_dim3A_160, %dot_general3A_170 : vector<128x128xf32>
    %slice3A_172 = vector.extract_strided_slice %reshape3A_18 {offsets = [0, 1, 0], sizes = [128, 1, 128], strides = [1, 1, 1]} : vector<128x3x128xf32> to vector<128x1x128xf32>
    %squeeze3A_173 = vector.shape_cast %slice3A_172 : vector<128x1x128xf32> to vector<128x128xf32>
    %get3A_174 = arith.constant 1 : index
    %get3A_175 = arith.constant 0 : index
    %get3A_176 = arith.constant 2 : index
    %get3A_177 = arith.constant 0 : index
    %get3A_178 = vector.load %arg10[%get3A_174, %get3A_175, %get3A_176, %get3A_177] : memref<3x128x3x128xf32, #tpu.memory_space<vmem>>, vector<1x128x1x128xf32>
    %get3A_179 = vector.shape_cast %get3A_178 : vector<1x128x1x128xf32> to vector<128x128xf32>
    %dot_general3A_180 = arith.constant dense<0.000000e+00> : vector<128x128xf32>
    %dot_general3A_181 = tpu.matmul %squeeze3A_173, %get3A_179, %dot_general3A_180 {dimension_numbers = #tpu.dot_dimension_numbers<[1], [0], [0], [1], [0, 0, 1, 1], [], []>, transpose_lhs_hint = false} : vector<128x128xf32>, vector<128x128xf32>, vector<128x128xf32> -> vector<128x128xf32>
    %add3A_182 = arith.addf %add3A_171, %dot_general3A_181 : vector<128x128xf32>
    %slice3A_183 = vector.extract_strided_slice %reshape3A_18 {offsets = [0, 2, 0], sizes = [128, 1, 128], strides = [1, 1, 1]} : vector<128x3x128xf32> to vector<128x1x128xf32>
    %squeeze3A_184 = vector.shape_cast %slice3A_183 : vector<128x1x128xf32> to vector<128x128xf32>
    %get3A_185 = arith.constant 2 : index
    %get3A_186 = arith.constant 0 : index
    %get3A_187 = arith.constant 2 : index
    %get3A_188 = arith.constant 0 : index
    %get3A_189 = vector.load %arg10[%get3A_185, %get3A_186, %get3A_187, %get3A_188] : memref<3x128x3x128xf32, #tpu.memory_space<vmem>>, vector<1x128x1x128xf32>
    %get3A_190 = vector.shape_cast %get3A_189 : vector<1x128x1x128xf32> to vector<128x128xf32>
    %dot_general3A_191 = arith.constant dense<0.000000e+00> : vector<128x128xf32>
    %dot_general3A_192 = tpu.matmul %squeeze3A_184, %get3A_190, %dot_general3A_191 {dimension_numbers = #tpu.dot_dimension_numbers<[1], [0], [0], [1], [0, 0, 1, 1], [], []>, transpose_lhs_hint = false} : vector<128x128xf32>, vector<128x128xf32>, vector<128x128xf32> -> vector<128x128xf32>
    %add3A_193 = arith.addf %add3A_182, %dot_general3A_192 : vector<128x128xf32>
    %slice3A_194 = vector.extract_strided_slice %reduce_sum3A_72 {offsets = [0, 2, 0], sizes = [128, 1, 128], strides = [1, 1, 1]} : vector<128x3x128xf32> to vector<128x1x128xf32>
    %squeeze3A_195 = vector.shape_cast %slice3A_194 : vector<128x1x128xf32> to vector<128x128xf32>
    %mul3A_196 = arith.mulf %squeeze3A_195, %add3A_193 : vector<128x128xf32>
    %get3A_197 = arith.constant 0 : index
    %get3A_198 = arith.constant 0 : index
    %get3A_199 = vector.load %arg8[%get3A_197, %get3A_198] : memref<128x8xf32, #tpu.memory_space<vmem>>, vector<128x8xf32>
    %dot_general3A_200 = arith.constant dense<0.000000e+00> : vector<128x8xf32>
    %dot_general3A_201 = tpu.matmul %mul3A_196, %get3A_199, %dot_general3A_200 {dimension_numbers = #tpu.dot_dimension_numbers<[1], [0], [0], [1], [0, 0, 1, 1], [], []>, transpose_lhs_hint = false} : vector<128x128xf32>, vector<128x8xf32>, vector<128x8xf32> -> vector<128x8xf32>
    %broadcast_in_dim3A_202 = vector.shape_cast %dot_general3A_201 : vector<128x8xf32> to vector<128x1x8xf32>
    %concatenate3A = tpu.concatenate %broadcast_in_dim3A_114, %broadcast_in_dim3A_158, %broadcast_in_dim3A_202 in 1 : vector<128x1x8xf32>, vector<128x1x8xf32>, vector<128x1x8xf32> -> vector<128x3x8xf32>
    %iota3A_203 = tpu.iota {dimensions = array<i32: 0>} : vector<3x8xi32>
    %mul3A_204 = arith.constant 8 : i32
    %mul3A_205 = vector.broadcast %mul3A_204 : i32 to vector<3x8xi32>
    %mul3A_206 = arith.muli %iota3A_203, %mul3A_205 : vector<3x8xi32>
    %iota3A_207 = tpu.iota {dimensions = array<i32: 1>} : vector<3x8xi32>
    %add3A_208 = arith.addi %mul3A_206, %iota3A_207 : vector<3x8xi32>
    %ge3A = arith.constant 21 : i32
    %ge3A_209 = vector.broadcast %ge3A : i32 to vector<3x8xi32>
    %ge3A_210 = arith.cmpi sge, %add3A_208, %ge3A_209 : vector<3x8xi32>
    %broadcast_in_dim3A_211 = vector.shape_cast %ge3A_210 : vector<3x8xi1> to vector<1x3x8xi1>
    %jit3A_212 = arith.constant -1.000000e+30 : f32
    %broadcast_in_dim3A_213 = vector.shape_cast %broadcast_in_dim3A_211 : vector<1x3x8xi1> to vector<1x3x8xi1>
    %broadcast_in_dim3A_214 = vector.broadcast %broadcast_in_dim3A_213 : vector<1x3x8xi1> to vector<128x3x8xi1>
    %broadcast_in_dim3A_215 = vector.broadcast %jit3A_212 : f32 to vector<128x3x8xf32>
    %select_n3A_216 = arith.select %broadcast_in_dim3A_214, %broadcast_in_dim3A_215, %concatenate3A : vector<128x3x8xi1>, vector<128x3x8xf32>
    %reduce_max3A_217 = arith.constant dense<0xFF800000> : vector<128x3xf32>
    %reduce_max3A_218 = vector.multi_reduction <maximumf>, %select_n3A_216, %reduce_max3A_217 [2] : vector<128x3x8xf32> to vector<128x3xf32>
    %broadcast_in_dim3A_219 = vector.shape_cast %reduce_max3A_218 : vector<128x3xf32> to vector<128x3x1xf32>
    %reduce_max3A_220 = arith.constant dense<0xFF800000> : vector<128x1xf32>
    %reduce_max3A_221 = vector.multi_reduction <maximumf>, %broadcast_in_dim3A_219, %reduce_max3A_220 [1] : vector<128x3x1xf32> to vector<128x1xf32>
    %broadcast_in_dim3A_222 = vector.shape_cast %reduce_max3A_221 : vector<128x1xf32> to vector<128x1x1xf32>
    %sub3A_223 = vector.broadcast %broadcast_in_dim3A_222 : vector<128x1x1xf32> to vector<128x3x8xf32>
    %sub3A_224 = arith.subf %select_n3A_216, %sub3A_223 : vector<128x3x8xf32>
    %exp3A_225 = math.exp %sub3A_224 : vector<128x3x8xf32>
    %reduce_sum3A_226 = arith.constant dense<0.000000e+00> : vector<128x3xf32>
    %reduce_sum3A_227 = vector.multi_reduction <add>, %exp3A_225, %reduce_sum3A_226 [2] : vector<128x3x8xf32> to vector<128x3xf32>
    %broadcast_in_dim3A_228 = vector.shape_cast %reduce_sum3A_227 : vector<128x3xf32> to vector<128x3x1xf32>
    %reduce_sum3A_229 = arith.constant dense<0.000000e+00> : vector<128x1xf32>
    %reduce_sum3A_230 = vector.multi_reduction <add>, %broadcast_in_dim3A_228, %reduce_sum3A_229 [1] : vector<128x3x1xf32> to vector<128x1xf32>
    %broadcast_in_dim3A_231 = vector.shape_cast %reduce_sum3A_230 : vector<128x1xf32> to vector<128x1x1xf32>
    %slice3A_232 = vector.extract_strided_slice %exp3A_225 {offsets = [0, 0, 0], sizes = [128, 1, 1], strides = [1, 1, 1]} : vector<128x3x8xf32> to vector<128x1x1xf32>
    %div3A_233 = arith.divf %slice3A_232, %broadcast_in_dim3A_231 : vector<128x1x1xf32>
    %add3A_234 = arith.constant 9.99999997E-7 : f32
    %add3A_235 = vector.broadcast %add3A_234 : f32 to vector<128x1x1xf32>
    %add3A_236 = arith.addf %div3A_233, %add3A_235 : vector<128x1x1xf32>
    %log3A = math.log %add3A_236 : vector<128x1x1xf32>
    %reduce_sum3A_237 = vector.shape_cast %log3A : vector<128x1x1xf32> to vector<1x128x1x1xf32>
    %reduce_sum3A_238 = arith.constant dense<0.000000e+00> : vector<1xf32>
    %reduce_sum3A_239 = vector.multi_reduction <add>, %reduce_sum3A_237, %reduce_sum3A_238 [1, 2, 3] : vector<1x128x1x1xf32> to vector<1xf32>
    %reduce_sum3A_240 = vector.shape_cast %reduce_sum3A_239 : vector<1xf32> to vector<1x1x1x1xf32>
    %reduce_sum3A_241 = vector.extract %reduce_sum3A_240[0, 0, 0, 0] : f32 from vector<1x1x1x1xf32>
    %neg3A = arith.constant 0.000000e+00 : f32
    %neg3A_242 = arith.subf %neg3A, %reduce_sum3A_241 : f32
    %eq3A_243 = arith.constant 0 : i32
    %eq3A_244 = arith.cmpi eq, %arg0, %eq3A_243 : i32
    %get3A_245 = arith.constant 0 : index
    %get3A_246 = arith.constant 0 : index
    %get3A_247 = memref.load %arg11[%get3A_245, %get3A_246] : memref<1x1xf32, #tpu.memory_space<smem>>
    %jit3A_248 = arith.constant 0.000000e+00 : f32
    %select_n3A_249 = arith.select %eq3A_244, %jit3A_248, %get3A_247 : f32
    %add3A_250 = arith.addf %select_n3A_249, %neg3A_242 : f32
    %swap3A = arith.constant 0 : index
    %swap3A_251 = arith.constant 0 : index
    %swap3A_252 = memref.load %arg11[%swap3A, %swap3A_251] : memref<1x1xf32, #tpu.memory_space<smem>>
    memref.store %add3A_250, %arg11[%swap3A, %swap3A_251] : memref<1x1xf32, #tpu.memory_space<smem>>
    return
  }
  func.func @transform_0(%arg0: i32) -> (i32, i32) {
    %c0_i32 = arith.constant 0 : i32
    %c0_i32_0 = arith.constant 0 : i32
    return %arg0, %c0_i32 : i32, i32
  }
  func.func @transform_1(%arg0: i32) -> (i32, i32) {
    %c0_i32 = arith.constant 0 : i32
    %c0_i32_0 = arith.constant 0 : i32
    return %arg0, %c0_i32 : i32, i32
  }
  func.func @transform_2(%arg0: i32) -> (i32, i32) {
    %c0_i32 = arith.constant 0 : i32
    %c0_i32_0 = arith.constant 0 : i32
    return %arg0, %c0_i32 : i32, i32
  }
  func.func @transform_3(%arg0: i32) -> (i32, i32) {
    %c0_i32 = arith.constant 0 : i32
    %c0_i32_0 = arith.constant 0 : i32
    %c0_i32_1 = arith.constant 0 : i32
    return %c0_i32, %c0_i32_0 : i32, i32
  }
  func.func @transform_4(%arg0: i32) -> (i32, i32) {
    %c0_i32 = arith.constant 0 : i32
    %c0_i32_0 = arith.constant 0 : i32
    %c0_i32_1 = arith.constant 0 : i32
    return %c0_i32, %c0_i32_0 : i32, i32
  }
  func.func @transform_5(%arg0: i32) -> (i32, i32) {
    %c0_i32 = arith.constant 0 : i32
    %c0_i32_0 = arith.constant 0 : i32
    %c0_i32_1 = arith.constant 0 : i32
    return %c0_i32, %c0_i32_0 : i32, i32
  }
  func.func @transform_6(%arg0: i32) -> (i32, i32) {
    %c0_i32 = arith.constant 0 : i32
    %c0_i32_0 = arith.constant 0 : i32
    %c0_i32_1 = arith.constant 0 : i32
    return %c0_i32, %c0_i32_0 : i32, i32
  }
  func.func @transform_7(%arg0: i32) -> (i32, i32) {
    %c0_i32 = arith.constant 0 : i32
    %c0_i32_0 = arith.constant 0 : i32
    %c0_i32_1 = arith.constant 0 : i32
    return %c0_i32, %c0_i32_0 : i32, i32
  }
  func.func @transform_8(%arg0: i32) -> (i32, i32) {
    %c0_i32 = arith.constant 0 : i32
    %c0_i32_0 = arith.constant 0 : i32
    %c0_i32_1 = arith.constant 0 : i32
    return %c0_i32, %c0_i32_0 : i32, i32
  }
  func.func @transform_9(%arg0: i32) -> (i32, i32, i32, i32) {
    %c0_i32 = arith.constant 0 : i32
    %c0_i32_0 = arith.constant 0 : i32
    %c0_i32_1 = arith.constant 0 : i32
    %c0_i32_2 = arith.constant 0 : i32
    %c0_i32_3 = arith.constant 0 : i32
    return %c0_i32, %c0_i32_0, %c0_i32_1, %c0_i32_2 : i32, i32, i32, i32
  }
  func.func @transform_10(%arg0: i32) -> (i32, i32) {
    %c0_i32 = arith.constant 0 : i32
    %c0_i32_0 = arith.constant 0 : i32
    %c0_i32_1 = arith.constant 0 : i32
    return %c0_i32, %c0_i32_0 : i32, i32
  }
}

</mosaic_0001>

<sc_bundles>
// kernel: gather_offload_async_start.1
scs
__scs_entry_jumppad:
0x0: {  	(pc) =	sbr.rel $0x88, $3  }
0x1: {  	(tag) =	ssettag $0x0;
	lr =	simm.s32 $0x1  }
0x2: {  	[smem:$0x3F9A] =	sst lr;
	_ =	strace $0xD0000000  }
0x3: {  	_ = 	snop  }
0x4: {  	_ = 	snop  }
0x5: {  	_ = 	snop  }
0x6: {  	_ = 	snop  }
0x7: {  	_ = 	snop  }
__scs_overlays_trampoline_lowered:
0x8: {  	[smem:$0x3FA9] =	sst s0  }
0x9: {  	[smem:$0x3FAA] =	sst s1  }
0xa: {  	[smem:$0x3FAB] =	sst s2  }
0xb: {  	[smem:$0x3FAC] =	sst s3  }
0xc: {  	[smem:$0x3FAD] =	sst s4  }
0xd: {  	[smem:$0x3FAE] =	sst s5  }
0xe: {  	[smem:$0x3FAF] =	sst s6  }
0xf: {  	[smem:$0x3FB0] =	sst s7  }
0x10: {  	[smem:$0x3FB1] =	sst s8  }
0x11: {  	[smem:$0x3FB2] =	sst s9;
	s0 =	simm.s32 @!p0 $0x0  }
0x12: {  	s1 =	sld [smem:$0x3F98];
	s0 =	simm.s32 @p0 $0x1  }
0x13: {  	[smem:$0x3FB3] =	sst s0;
	s0 =	simm.s32 @!p1 $0x0  }
0x14: {  	s2 =	sld [smem:$0x3F97];
	s0 =	simm.s32 @p1 $0x1  }
0x15: {  	[smem:$0x3FB4] =	sst s0;
	s0 =	simm.s32 @!p2 $0x0  }
0x16: {  	s3 =	sld [smem:$0x3FDB];
	s0 =	simm.s32 @p2 $0x1  }
0x17: {  	s4 =	simm.s32 $0x1BF5;
	[smem:$0x3FB6] =	sst s0  }
0x18: {  	s0 =	sld [smem:$0x3F99];
	_ =	swait.ge [sflag:s4], $0x0  }
0x19: {  	s7 =	sld [smem:$0x3F9A]  }
0x1a: {  	s8 =	sadd.s32 $0xFFFFE003, lr  }
0x1b: {  	s9 =	sadd.s32 $0xFFFFFEF7, lr;
	s5 =	simm.s32 $0xFFFFFFFF;
	p2 =	slt.u32 s8, $0xFFFFF086  }
0x1c: {  	p1 =	slt.u32 s9, $0xF7A;
	s5 =	simm.s32 @!p2 $0x0  }
0x1d: {  	s5 =	simm.s32 @p1 $0x1;
	p0 =	seq.s32 s7, s2  }
0x1e: {  	s7 =	smul.u32 @!p0 $0xF7A, s2;
	p2 =	seq.s32 @!p0 s5, $0x0  }
0x1f: {  	s9 =	smul.u32 $0xF7A, s1;
	s8 =	simm.s32 @!p0 $0x1BF5;
	p2 =	por !p2, p0  }
0x20: {  	[sflag:s8] =	ssyncset.s32 @!p0 $0xFFFFF086;
	s6 =	sadd.s32 @!p0 s3, s7;
	s7 =	simm.s32 @!p0 $0x108  }
0x21: {  	s3 =	sadd.s32 s3, s9;
	s6 =	sadd.s32 @!p0 $0x88, s6;
	s7 =	simm.s32 @p2 $0x1082  }
0x22: {  	[simem:s7], [sflag:s8] =	dma.local @!p0 [hbm:s6], $0xF7A  }
0x23: {  	s9 =	sor.u32 $0xD0000000, s2;
	s6 =	simm.s32 $0x108;
	_ =	swait.ge @!p0 [sflag:s8], $0x0  }
0x24: {  	s3 =	sadd.s32 $0x88, s3;
	s6 =	simm.s32 @!p1 $0x1082;
	[sflag:s4] =	ssyncset.s32 $0xFFFFF086  }
0x25: {  	[simem:s6], [sflag:s4] =	dma.local [hbm:s3], $0xF7A  }
0x26: {  	[smem:$0x3F9A] =	sst s1;
	(tag) =	ssettag s2;
	_ =	strace s9  }
0x27: {  	s1 =	sld [smem:$0x3FAA]  }
0x28: {  	s2 =	sld [smem:$0x3FAB]  }
0x29: {  	s4 =	sld [smem:$0x3FAD]  }
0x2a: {  	p0 =	seq.s32 s5, $0x0;
	s5 =	sld [smem:$0x3FAE]  }
0x2b: {  	s6 =	sld [smem:$0x3FAF]  }
0x2c: {  	s7 =	sld [smem:$0x3FB0]  }
0x2d: {  	s3 =	simm.s32 $0x108;
	s8 =	sld [smem:$0x3FB1]  }
0x2e: {  	s3 =	simm.s32 @!p0 $0x1082;
	s9 =	sld [smem:$0x3FB2]  }
0x2f: {  	lr =	sadd.s32 s0, s3;
	s0 =	sld [smem:$0x3FA9]  }
0x30: {  	s3 =	sld [smem:$0x3FAC]  }
0x31: {  	[smem:$0x3FB5] =	sst s10  }
0x32: {  	s10 =	sld [smem:$0x3FB3];
	_ =	sdelay $0x3  }
0x33: {  	p0 =	seq.s32 s10, $0x1;
	s10 =	sld [smem:$0x3FB5];
	_ =	sdelay $0x3  }
0x34: {  	[smem:$0x3FB5] =	sst s10  }
0x35: {  	s10 =	sld [smem:$0x3FB4];
	_ =	sdelay $0x3  }
0x36: {  	p1 =	seq.s32 s10, $0x1;
	s10 =	sld [smem:$0x3FB5];
	_ =	sdelay $0x3  }
0x37: {  	[smem:$0x3FB5] =	sst s10  }
0x38: {  	s10 =	sld [smem:$0x3FB6]  }
0x39: {  	_ = 	snop;
	(pc) =	sbr.ind lr, $3  }
0x3a: {  	_ = 	snop  }
0x3b: {  	_ = 	snop  }
0x3c: {  	p2 =	seq.s32 s10, $0x1;
	s10 =	sld [smem:$0x3FB5]  }
0x3d: {  	_ =	shalt  }
0x3e: {  	_ =	shalt  }
0x3f: {  	_ =	shalt  }
0x40: {  	_ =	shalt  }
0x41: {  	_ =	shalt  }
0x42: {  	_ =	shalt  }
0x43: {  	_ =	shalt  }
0x44: {  	_ =	shalt  }
0x45: {  	_ =	shalt  }
0x46: {  	_ =	shalt  }
0x47: {  	_ =	shalt  }
0x48: {  	_ =	shalt  }
0x49: {  	_ =	shalt  }
0x4a: {  	_ =	shalt  }
0x4b: {  	_ =	shalt  }
0x4c: {  	_ =	shalt  }
0x4d: {  	_ =	shalt  }
0x4e: {  	_ =	shalt  }
0x4f: {  	_ =	shalt  }
0x50: {  	_ =	shalt  }
0x51: {  	_ =	shalt  }
0x52: {  	_ =	shalt  }
0x53: {  	_ =	shalt  }
0x54: {  	_ =	shalt  }
0x55: {  	_ =	shalt  }
0x56: {  	_ =	shalt  }
0x57: {  	_ =	shalt  }
0x58: {  	_ =	shalt  }
0x59: {  	_ =	shalt  }
0x5a: {  	_ =	shalt  }
0x5b: {  	_ =	shalt  }
0x5c: {  	_ =	shalt  }
0x5d: {  	_ =	shalt  }
0x5e: {  	_ =	shalt  }
0x5f: {  	_ =	shalt  }
0x60: {  	_ =	shalt  }
0x61: {  	_ =	shalt  }
0x62: {  	_ =	shalt  }
0x63: {  	_ =	shalt  }
0x64: {  	_ =	shalt  }
0x65: {  	_ =	shalt  }
0x66: {  	_ =	shalt  }
0x67: {  	_ =	shalt  }
0x68: {  	_ =	shalt  }
0x69: {  	_ =	shalt  }
0x6a: {  	_ =	shalt  }
0x6b: {  	_ =	shalt  }
0x6c: {  	_ =	shalt  }
0x6d: {  	_ =	shalt  }
0x6e: {  	_ =	shalt  }
0x6f: {  	_ =	shalt  }
0x70: {  	_ =	shalt  }
0x71: {  	_ =	shalt  }
0x72: {  	_ =	shalt  }
0x73: {  	_ =	shalt  }
0x74: {  	_ =	shalt  }
0x75: {  	_ =	shalt  }
0x76: {  	_ =	shalt  }
0x77: {  	_ =	shalt  }
0x78: {  	_ =	shalt  }
0x79: {  	_ =	shalt  }
0x7a: {  	_ =	shalt  }
0x7b: {  	_ =	shalt  }
0x7c: {  	_ =	shalt  }
0x7d: {  	_ =	shalt  }
0x7e: {  	_ =	shalt  }
0x7f: {  	_ =	shalt  }
0x80: {  	_ =	shalt  }
0x81: {  	_ =	shalt  }
0x82: {  	_ =	shalt  }
0x83: {  	_ =	shalt  }
0x84: {  	_ =	shalt  }
0x85: {  	_ =	shalt  }
0x86: {  	_ =	shalt  }
0x87: {  	_ =	shalt  }
.Lfunc_end0:
.L_simem_size_0:
called_computation.1_lowered:
.L_overlay_start_0:
0x88: {  	s2 =	sld [smem:$0x3FD9]  }
0x89: {  	s3 =	sld [smem:$0x3FFE];
	_ =	sdelay $0x1  }
0x8a: {  	s1 =	srdreg.scid  }
0x8b: {  	s0 =	sand.u32 $0x1, s1  }
0x8c: {  	s17 =	sshll.u32 s0, $0xA;
	s2 =	sadd.s32 s3, s2  }
0x8d: {  	s2 =	sadd.s32 s2, s17  }
0x8e: {  	[smem:$0x3FC1] =	sst s2  }
0x8f: {  	_ = 	snop  }
0x90: {  	s18 =	sld [smem:$0x3FC6];
	(tm) =	ssettm $0x1  }
0x91: {  	s19 =	sld [smem:$0x3FFB];
	_ =	sdelay $0x3  }
0x92: {  	_ =	strace s19  }
0x93: {  	s2 =	sld [smem:$0x3FFC];
	_ =	sdelay $0x3  }
0x94: {  	_ =	strace s2  }
0x95: {  	s2 =	sld [smem:$0x3FFD];
	_ =	sdelay $0x3  }
0x96: {  	_ =	strace s2  }
0x97: {  	_ =	strace $0x8FFFFFFF  }
0x98: {  	s20 =	sld [smem:$0x3FDB];
	_ =	sdelay $0x1  }
0x99: {  	s4 =	simm.s32 $_scs_section_size  }
0x9a: {  	s5 =	simm.s32 $_size__tile_overlayer_lowered;
	s6 =	simm.s32 $_tile_overlayer_lowered  }
0x9b: {  	s7 =	simm.s32 $0x1BFF;
	s21 =	sshll.u32 s6, $0x1;
	s4 =	sadd.s32 s4, s20  }
0x9c: {  	s22 =	simm.s32 $0x0;
	s5 =	sshll.u32 s5, $0x1;
	s6 =	sadd.s32 s21, s4  }
0x9d: {  	[timem:s22], [sflag:s7] =	dma.local [hbm:s6], s5  }
0x9e: {  	_ =	swait.ge [sflag:s7], s5  }
0x9f: {  	s5 =	ssub.s32 $0x0, s5;
	[sflag:s7] =	ssyncset.done $0x0  }
0xa0: {  	[sflag:s7] =	ssyncadd.s32 s5;
	_ =	sdelay $0x1  }
0xa1: {  	s23 =	simm.s32 $0x1B8B  }
0xa2: {  	_ =	swait.ge [sflag:s23], $0x1  }
0xa3: {  	[sflag:s23] =	ssyncset.done $0x0  }
0xa4: {  	[sflag:s23] =	ssyncadd.s32 $0xFFFFFFFF  }
0xa5: {  	s5 =	sld [smem:$0x0]  }
0xa6: {  	s6 =	sand.u32 $0xFFFFFFFE, s1  }
0xa7: {  	p0 =	sne.s32 s1, s6  }
0xa8: {  	s6 =	sshll.u32 @p0 s6, $0xE  }
0xa9: {  	s6 =	sadd.s32 @p0 $0x11B8D, s6;
	s7 =	sshll.u32 @p0 s5, $0x11  }
0xaa: {  	s6 =	sor.u32 @p0 s7, s6  }
0xab: {  	[sflag:s6] =	ssyncadd.remote.s32 @p0 $0x1;
	_ =	sdelay $0x1  }
0xac: {  	s6 =	simm.s32 @p0 $0x1B8D  }
0xad: {  	_ =	swait.eq @p0 [sflag:s6], $0x1  }
0xae: {  	[sflag:s6] =	ssyncadd.s32 @p0 $0xFFFFFFFF  }
0xaf: {  	s7 =	sshll.u32 @!p0 s1, $0xE  }
0xb0: {  	s7 =	sor.u32 @!p0 $0x4000, s7;
	s6 =	simm.s32 @!p0 $0x1B8D  }
0xb1: {  	s5 =	sshll.u32 @!p0 s5, $0x11;
	s7 =	sadd.s32 @!p0 $0x11B8D, s7;
	_ =	swait.eq @!p0 [sflag:s6], $0x1  }
0xb2: {  	s5 =	sor.u32 @!p0 s5, s7;
	[sflag:s6] =	ssyncadd.s32 @!p0 $0xFFFFFFFF  }
0xb3: {  	s25 =	simm.s32 $0x1B8E;
	s24 =	sld [smem:$0x3FFE];
	[sflag:s5] =	ssyncadd.remote.s32 @!p0 $0x1  }
0xb4: {  	s26 =	simm.s32 $execute0_lowered;
	[smem:$0x3FD2] =	sst s25  }
0xb5: {  	s6 =	sshll.u32 s26, $0x1;
	_ =	strace $0x80000049;
	[dreg:$0x1] =	wrdreg $0xFFFFFFFF  }
0xb6: {  	s28 =	simm.s32 $_size_execute0_lowered;
	s4 =	sadd.s32 s4, s6;
	[dreg:$0x0] =	wrdreg $0x0  }
0xb7: {  	s6 =	sshll.u32 s28, $0x1;
	[dreg:$0x2] =	wrdreg s4  }
0xb8: {  	[dreg:$0x3] =	wrdreg s6  }
0xb9: {  	[dreg:$0x4] =	wrdreg $0xC0  }
0xba: {  	_ =	task [dreg:s22], $0x5FFFF  }
0xbb: {  	[dreg:$0x1] =	wrdreg $0xFFFFFFFF  }
0xbc: {  	[dreg:$0x0] =	wrdreg $0x60  }
0xbd: {  	[dreg:$0x2] =	wrdreg s18  }
0xbe: {  	[dreg:$0x3] =	wrdreg s24  }
0xbf: {  	[dreg:$0x4] =	wrdreg $0xA  }
0xc0: {  	_ =	task.clear_ibuf [dreg:s22], $0x5FFFF;
	_ =	strace $0x90000049  }
0xc1: {  	s29 =	simm.s32 $0xA;
	_ =	strace $0x8000004B  }
0xc2: {  	_ =	swait.ge [sflag:s29], $0x1  }
0xc3: {  	[sflag:s29] =	ssyncadd.s32 $0xFFFFFFFF  }
0xc4: {  	_ =	strace $0x9000004B  }
0xc5: {  	_ =	sfence  }
0xc6: {  	s30 =	sld [smem:$0x0];
	_ =	sdelay $0x2  }
0xc7: {  	s31 =	sshll.u32 s1, $0xD;
	s1 =	sshrl.u32 s1, $0x2  }
0xc8: {  	s4 =	sand.u32 $0x4000, s31;
	s1 =	sadd.s32 s1, s30  }
0xc9: {  	s0 =	sor.u32 s4, s0;
	s1 =	sshll.u32 s1, $0x11  }
0xca: {  	s0 =	sor.u32 s1, s0  }
0xcb: {  	s0 =	sadd.s32 $0x8F2B, s0  }
0xcc: {  	[sflag:s0] =	ssyncadd.remote.s32 $0x1  }
0xcd: {  	_ =	sfence.sel $0xFFFF  }
0xce: {  	[dreg:$0x0] =	wrdreg $0xFFFFFFFF;
	(pc) =	sbr.abs _section_cstart, $3  }
0xcf: {  	[dreg:$0x1] =	wrdreg $0xFFFFFFFF  }
0xd0: {  	_ =	task.clear_ibuf [dreg:s22], $0x2FFFF;
	_ =	strace $0x9FFFFFFF  }
0xd1: {  	(tm) =	ssettm $0x7FFFFFFF  }
tec
execute0_lowered:
.L_overlay_start_1:
0x0: {  	(tag) =	ssettag $0x1  }
0x1: {  	s0 =	stileid.u32;
	s2 =	rddreg [dreg:$0x0]  }
0x2: {  	s1 =	srdreg.scid;
	s9 =	rddreg [dreg:$0x1]  }
0x3: {  	s4 =	simm.s32 $0x1;
	s6 =	simm.s32 $0x2;
	s11 =	simm.s32 $0x1  }
0x4: {  	s31 =	simm.s32 $0x3;
	s1 =	sand.u32 $0x1, s1;
	s3 =	sshll.u32 s0, $0x1  }
0x5: {  	s13 =	simm.s32 $0x0;
	s12 =	simm.s32 $0x0;
	s7 =	sor.u32 s3, s1  }
0x6: {  	s1 =	rddreg [dreg:$0x2];
	_ =	strace $0x8000004A;
	s3 =	smul.u32 $0x700, s7  }
0x7: {  	[sflag:s4] =	ssyncpa.u1 $0x0;
	p0 =	seq.s32 s7, $0x0;
	s7 =	simm.s32 $0xE000  }
0x8: {  	s7 =	simm.s32 @!p0 $0x0;
	s11 =	simm.s32 @!p0 $0x0;
	[sflag:s6] =	ssyncpa.u1 $0x0  }
.Ltmp0:
0x9: {  	s5 =	sshrl.u32 s3, $0x3;
	s10 =	ssub.s32 $0xE000, s3;
	(pc) =	sbr.rel .LBB2_1-.Ltmp0, $4  }
0xa: {  	[sflag:s31] =	ssyncpa.u1 $0x0;
	p0 =	sne.s32 s10, s7;
	s7 =	simm.s32 $0x1  }
0xb: {  	s8 =	sadd.s32 s5, s9;
	s5 =	sadd.s32 $0x29600, s9;
	s7 =	simm.s32 @!p0 $0x0  }
0xc: {  	s9 =	sadd.s32 $0x37600, s9;
	s8 =	sadd.s32 $0x8A00, s8;
	s7 =	sadd.s32 s11, s7  }
0xd: {  	vm0 =	vmmov $0xffff;
	p0 =	por $0x0, $0x0;
	s11 =	simm.s32 $0x0;
	s10 =	sadd.s32 $0x1, s7  }
.LBB2_4:
0xe: {  	_ =	sdelay $0x2  }
0xf: {  	(ifvalue) =	ssetifvalue $0x7FFFFFFF  }
0x10: {  	[tilespmem:s20], [sflag:$0x1] =	stream.indirect_vreg.gather [hbm4b:s2+s11], $0x1, v0, vm0, $0x4038;
	[tilespmem:$0xEE00] =	vst v63  }
0x11: {  	_ =	swait.ge [sflag:s4], $0x7000  }
0x12: {  	[sflag:s4] =	ssyncset.done $0x0  }
0x13: {  	s16 =	sadd.s32 s5, s13;
	[sflag:s4] =	ssyncadd.s32 $0xFFFF9000  }
0x14: {  	[hbm:s16] =	stream.linear.scatter [tilespmem:s15], [sflag:$0x3], $0x3800, $0x38;
	[tilespmem:$0xEE00] =	vst v63  }
0x15: {  	s14 =	sadd.s32 $0x4600, s14;
	s31 =	sadd.s32 s13, s9  }
0x16: {  	[hbm:s31] =	stream.linear.scatter [tilespmem:s14], [sflag:$0x3], $0x3800, $0x38;
	[tilespmem:$0xEE00] =	vst v63  }
.LBB2_5:
0x17: {  	p2 =	sne.s32 s12, s10  }
.Ltmp1:
0x18: {  	p1 =	slt.u32 s12, $0x2;
	(pc) =	sbr.rel @!p2 .LBB2_6-.Ltmp1, $4  }
0x19: {  	s13 =	simm.s32 @!p1 $0x3  }
0x1a: {  	_ =	swait.ge @!p1 [sflag:s13], $0x7000  }
0x1b: {  	s14 =	sadd.s32 $0x1, s12;
	p0 =	por !p0, !p0;
	[sflag:s13] =	ssyncset.done @!p1 $0x0  }
0x1c: {  	s12 =	smov.u32 s14;
	[sflag:s13] =	ssyncadd.s32 @!p1 $0xFFFF9000;
	s13 =	smov.u32 s3  }
.LBB2_1:
0x1d: {  	p1 =	sge.u32 s12, s7  }
0x1e: {  	s14 =	sxor.u32 @!p1 $0x1, s12  }
0x1f: {  	s14 =	smul.u32 @!p1 $0x1C00, s14;
	_ =	sdelay $0x1  }
0x20: {  	s31 =	sadd.s32 $0xFFFFFFFF, s12;
	s15 =	simm.s32 @!p1 $0x0;
	s14 =	sshra.s32 @!p1 s14, $0x2  }
0x21: {  	[tilespmem:s14], [sflag:$0x2] =	stream.linear.gather @!p1 [hbm4b:s8+s15], $0x700, $0x38;
	[tilespmem:$0xEE00] =	vst v63  }
0x22: {  	p1 =	sge.u32 s31, s7  }
.Ltmp2:
0x23: {  	_ = 	snop;
	(pc) =	sbr.rel @p1 .LBB2_5-.Ltmp2, $1  }
0x24: {  	_ =	sdelay $0x3  }
0x25: {  	s14 =	simm.s32 $0x1  }
0x26: {  	s14 =	simm.s32 @!p0 $0x0  }
0x27: {  	_ =	swait.ge [sflag:s6], $0x700;
	s14 =	smul.u32 $0x1C00, s14  }
0x28: {  	[sflag:s6] =	ssyncset.done $0x0  }
0x29: {  	[sflag:s6] =	ssyncadd.s32 $0xFFFFF900;
	s18 =	sshrl.u32 s14, $0x2  }
0x2a: {  	v0 =	vld.msk [tilespmem:s18+$0x0 ss:$0x1], $0xffff;
	_ =	sdelay $0x4  }
0x2b: {  	vm1 =	vgt.s32 v0, $0x0  }
0x2c: {  	v0 =	vnsel vm1, $0x0, v0  }
0x2d: {  	v0 =	vmin.u32 v0, $0xF423F  }
0x2e: {  	s30 =	sand.u32 $0x1, s12;
	v1 =	vshll.u32 v0, $0x3  }
0x2f: {  	s14 =	smul.u32 $0x1C000, s30;
	v0 =	vand.u32 $0x7F, v0;
	v1 =	vand.u32 $0x7FFC00, v1  }
0x30: {  	v0 =	vor.u32 v0, v1  }
0x31: {  	s16 =	simm.s32 $0x0;
	s14 =	sshrl.u32 s14, $0x2  }
0x32: {  	s17 =	sand.u32 $0x3C00, s16;
	s15 =	sor.u32 $0xE00, s14  }
0x33: {  	s19 =	sand.u32 $0x70, s16;
	(ifvalue) =	ssetifvalue $0x7FFFFFFF;
	s17 =	sadd.s32 s17, s15;
	v1 =	vor.u32 $0x80, v0  }
0x34: {  	(ifvalue) =	ssetifvalue $0x7FFFFFFF;
	s19 =	sadd.s32 s19, s17  }
0x35: {  	[tilespmem:s19], [sflag:$0x1] =	stream.indirect_vreg.gather [hbm4b:s2+s11], $0x1, v0, vm0, $0x4038;
	[tilespmem:$0xEE00] =	vst v63  }
0x36: {  	v2 =	vor.u32 $0x100, v0;
	(ifvalue) =	ssetifvalue $0x7FFFFFFF  }
0x37: {  	s17 =	sadd.s32 $0x80, s19;
	(ifvalue) =	ssetifvalue $0x7FFFFFFF  }
0x38: {  	[tilespmem:s17], [sflag:$0x1] =	stream.indirect_vreg.gather [hbm4b:s2+s11], $0x1, v1, vm0, $0x4038;
	[tilespmem:$0xEE00] =	vst v63  }
0x39: {  	v1 =	vor.u32 $0x180, v0;
	(ifvalue) =	ssetifvalue $0x7FFFFFFF  }
0x3a: {  	s31 =	sadd.s32 $0x100, s19;
	(ifvalue) =	ssetifvalue $0x7FFFFFFF  }
0x3b: {  	[tilespmem:s31], [sflag:$0x1] =	stream.indirect_vreg.gather [hbm4b:s2+s11], $0x1, v2, vm0, $0x4038;
	[tilespmem:$0xEE00] =	vst v63  }
0x3c: {  	v2 =	vor.u32 $0x200, v0;
	(ifvalue) =	ssetifvalue $0x7FFFFFFF  }
0x3d: {  	s20 =	sadd.s32 $0x180, s19;
	(ifvalue) =	ssetifvalue $0x7FFFFFFF  }
0x3e: {  	[tilespmem:s20], [sflag:$0x1] =	stream.indirect_vreg.gather [hbm4b:s2+s11], $0x1, v1, vm0, $0x4038;
	[tilespmem:$0xEE00] =	vst v63  }
0x3f: {  	(ifvalue) =	ssetifvalue $0x7FFFFFFF;
	v1 =	vor.u32 $0x280, v0  }
0x40: {  	s21 =	sadd.s32 $0x200, s19;
	(ifvalue) =	ssetifvalue $0x7FFFFFFF  }
0x41: {  	[tilespmem:s21], [sflag:$0x1] =	stream.indirect_vreg.gather [hbm4b:s2+s11], $0x1, v2, vm0, $0x4038;
	[tilespmem:$0xEE00] =	vst v63  }
0x42: {  	(ifvalue) =	ssetifvalue $0x7FFFFFFF;
	v2 =	vor.u32 $0x300, v0  }
0x43: {  	s23 =	sand.u32 $0x7, s16;
	s22 =	sadd.s32 $0x280, s19;
	(ifvalue) =	ssetifvalue $0x7FFFFFFF  }
0x44: {  	[tilespmem:s22], [sflag:$0x1] =	stream.indirect_vreg.gather [hbm4b:s2+s11], $0x1, v1, vm0, $0x4038;
	[tilespmem:$0xEE00] =	vst v63  }
0x45: {  	s17 =	sshll.u32 s23, $0x4;
	(ifvalue) =	ssetifvalue $0x7FFFFFFF;
	v1 =	vor.u32 $0x380, v0  }
0x46: {  	s17 =	sadd.s32 $0x0, s17;
	s20 =	sadd.s32 $0x300, s19;
	(ifvalue) =	ssetifvalue $0x7FFFFFFF  }
0x47: {  	[tilespmem:s20], [sflag:$0x1] =	stream.indirect_vreg.gather [hbm4b:s2+s11], $0x1, v2, vm0, $0x4038;
	[tilespmem:$0xEE00] =	vst v63  }
0x48: {  	s17 =	sor.u32 $0x380, s17;
	(ifvalue) =	ssetifvalue $0x7FFFFFFF;
	v2 =	vadd.s32 $0x7A1400, v0  }
0x49: {  	s17 =	sadd.s32 s17, s15;
	(ifvalue) =	ssetifvalue $0x7FFFFFFF  }
0x4a: {  	[tilespmem:s17], [sflag:$0x1] =	stream.indirect_vreg.gather [hbm4b:s2+s11], $0x1, v1, vm0, $0x4038;
	[tilespmem:$0xEE00] =	vst v63  }
0x4b: {  	v1 =	vadd.s32 $0x7A1480, v0;
	(ifvalue) =	ssetifvalue $0x7FFFFFFF  }
0x4c: {  	s24 =	sadd.s32 $0x3800, s19;
	(ifvalue) =	ssetifvalue $0x7FFFFFFF  }
0x4d: {  	[tilespmem:s24], [sflag:$0x1] =	stream.indirect_vreg.gather [hbm4b:s2+s11], $0x1, v2, vm0, $0x4038;
	[tilespmem:$0xEE00] =	vst v63  }
0x4e: {  	v2 =	vadd.s32 $0x7A1500, v0;
	(ifvalue) =	ssetifvalue $0x7FFFFFFF  }
0x4f: {  	s25 =	sadd.s32 $0x3880, s19;
	(ifvalue) =	ssetifvalue $0x7FFFFFFF  }
0x50: {  	[tilespmem:s25], [sflag:$0x1] =	stream.indirect_vreg.gather [hbm4b:s2+s11], $0x1, v1, vm0, $0x4038;
	[tilespmem:$0xEE00] =	vst v63  }
0x51: {  	v1 =	vadd.s32 $0x7A1580, v0;
	(ifvalue) =	ssetifvalue $0x7FFFFFFF  }
0x52: {  	s26 =	sadd.s32 $0x3900, s19;
	(ifvalue) =	ssetifvalue $0x7FFFFFFF  }
0x53: {  	[tilespmem:s26], [sflag:$0x1] =	stream.indirect_vreg.gather [hbm4b:s2+s11], $0x1, v2, vm0, $0x4038;
	[tilespmem:$0xEE00] =	vst v63  }
0x54: {  	v2 =	vadd.s32 $0x7A1600, v0;
	(ifvalue) =	ssetifvalue $0x7FFFFFFF  }
0x55: {  	s28 =	sadd.s32 $0x3980, s19;
	(ifvalue) =	ssetifvalue $0x7FFFFFFF  }
0x56: {  	[tilespmem:s28], [sflag:$0x1] =	stream.indirect_vreg.gather [hbm4b:s2+s11], $0x1, v1, vm0, $0x4038;
	[tilespmem:$0xEE00] =	vst v63  }
0x57: {  	v1 =	vadd.s32 $0x7A1680, v0;
	(ifvalue) =	ssetifvalue $0x7FFFFFFF  }
0x58: {  	s29 =	sadd.s32 $0x3A00, s19;
	(ifvalue) =	ssetifvalue $0x7FFFFFFF  }
0x59: {  	[tilespmem:s29], [sflag:$0x1] =	stream.indirect_vreg.gather [hbm4b:s2+s11], $0x1, v2, vm0, $0x4038;
	[tilespmem:$0xEE00] =	vst v63  }
0x5a: {  	v2 =	vadd.s32 $0x7A1700, v0;
	(ifvalue) =	ssetifvalue $0x7FFFFFFF  }
0x5b: {  	s30 =	sadd.s32 $0x3A80, s19;
	(ifvalue) =	ssetifvalue $0x7FFFFFFF  }
0x5c: {  	[tilespmem:s30], [sflag:$0x1] =	stream.indirect_vreg.gather [hbm4b:s2+s11], $0x1, v1, vm0, $0x4038;
	[tilespmem:$0xEE00] =	vst v63  }
0x5d: {  	s18 =	sadd.s32 $0x10, s18;
	v0 =	vadd.s32 $0x7A1780, v0;
	(ifvalue) =	ssetifvalue $0x7FFFFFFF  }
0x5e: {  	s31 =	sadd.s32 $0x3B00, s19;
	s20 =	sadd.s32 $0x3B80, s19;
	(ifvalue) =	ssetifvalue $0x7FFFFFFF  }
0x5f: {  	[tilespmem:s31], [sflag:$0x1] =	stream.indirect_vreg.gather [hbm4b:s2+s11], $0x1, v2, vm0, $0x4038;
	[tilespmem:$0xEE00] =	vst v63  }
0x60: {  	s19 =	simm.s32 $0x0;
	s17 =	simm.s32 $0x10;
	(ifvalue) =	ssetifvalue $0x7FFFFFFF  }
.LBB2_3:
0x61: {  	(ifvalue) =	ssetifvalue $0x7FFFFFFF;
	s16 =	sadd.s32 $0x80, s16;
	s19 =	sadd.s32 $0x1, s19  }
0x62: {  	[tilespmem:s20], [sflag:$0x1] =	stream.indirect_vreg.gather [hbm4b:s2+s11], $0x1, v0, vm0, $0x4038;
	[tilespmem:$0xEE00] =	vst v63  }
0x63: {  	p1 =	sne.s32 s17, $0x6F0;
	s20 =	smov.u32 s17;
	s17 =	sadd.s32 $0x10, s17;
	v0 =	vld.msk [tilespmem:s18+$0x0 ss:$0x1], $0xffff  }
0x64: {  	(ifvalue) =	ssetifvalue $0x7FFFFFFF;
	_ =	sdelay $0x4  }
0x65: {  	vm1 =	vgt.s32 v0, $0x0  }
0x66: {  	v0 =	vnsel vm1, $0x0, v0  }
0x67: {  	v0 =	vmin.u32 v0, $0xF423F  }
0x68: {  	v1 =	vshll.u32 v0, $0x3  }
0x69: {  	v0 =	vand.u32 $0x7F, v0;
	v1 =	vand.u32 $0x7FFC00, v1  }
0x6a: {  	v0 =	vor.u32 v0, v1;
	_ =	sdelay $0x1  }
0x6b: {  	s21 =	sand.u32 $0x3C00, s16  }
0x6c: {  	s20 =	sand.u32 $0x70, s20;
	s21 =	sadd.s32 s21, s15;
	v1 =	vor.u32 $0x80, v0  }
0x6d: {  	s20 =	sadd.s32 s20, s21;
	(ifvalue) =	ssetifvalue $0x7FFFFFFF  }
0x6e: {  	[tilespmem:s20], [sflag:$0x1] =	stream.indirect_vreg.gather [hbm4b:s2+s11], $0x1, v0, vm0, $0x4038;
	[tilespmem:$0xEE00] =	vst v63  }
0x6f: {  	v2 =	vor.u32 $0x100, v0;
	(ifvalue) =	ssetifvalue $0x7FFFFFFF  }
0x70: {  	s21 =	sadd.s32 $0x80, s20;
	(ifvalue) =	ssetifvalue $0x7FFFFFFF  }
0x71: {  	[tilespmem:s21], [sflag:$0x1] =	stream.indirect_vreg.gather [hbm4b:s2+s11], $0x1, v1, vm0, $0x4038;
	[tilespmem:$0xEE00] =	vst v63  }
0x72: {  	v1 =	vor.u32 $0x180, v0;
	(ifvalue) =	ssetifvalue $0x7FFFFFFF  }
0x73: {  	s21 =	sadd.s32 $0x100, s20;
	(ifvalue) =	ssetifvalue $0x7FFFFFFF  }
0x74: {  	[tilespmem:s21], [sflag:$0x1] =	stream.indirect_vreg.gather [hbm4b:s2+s11], $0x1, v2, vm0, $0x4038;
	[tilespmem:$0xEE00] =	vst v63  }
0x75: {  	v2 =	vor.u32 $0x200, v0;
	(ifvalue) =	ssetifvalue $0x7FFFFFFF  }
0x76: {  	s21 =	sadd.s32 $0x180, s20;
	(ifvalue) =	ssetifvalue $0x7FFFFFFF  }
0x77: {  	[tilespmem:s21], [sflag:$0x1] =	stream.indirect_vreg.gather [hbm4b:s2+s11], $0x1, v1, vm0, $0x4038;
	[tilespmem:$0xEE00] =	vst v63  }
0x78: {  	v1 =	vor.u32 $0x280, v0;
	(ifvalue) =	ssetifvalue $0x7FFFFFFF  }
0x79: {  	s21 =	sadd.s32 $0x200, s20;
	(ifvalue) =	ssetifvalue $0x7FFFFFFF  }
0x7a: {  	[tilespmem:s21], [sflag:$0x1] =	stream.indirect_vreg.gather [hbm4b:s2+s11], $0x1, v2, vm0, $0x4038;
	[tilespmem:$0xEE00] =	vst v63  }
0x7b: {  	v2 =	vor.u32 $0x300, v0;
	(ifvalue) =	ssetifvalue $0x7FFFFFFF  }
0x7c: {  	s21 =	sadd.s32 $0x280, s20;
	(ifvalue) =	ssetifvalue $0x7FFFFFFF  }
0x7d: {  	[tilespmem:s21], [sflag:$0x1] =	stream.indirect_vreg.gather [hbm4b:s2+s11], $0x1, v1, vm0, $0x4038;
	[tilespmem:$0xEE00] =	vst v63  }
0x7e: {  	s21 =	sand.u32 $0x7, s19;
	v1 =	vor.u32 $0x380, v0;
	(ifvalue) =	ssetifvalue $0x7FFFFFFF  }
0x7f: {  	s22 =	sadd.s32 $0x300, s20;
	s21 =	sshll.u32 s21, $0x4;
	(ifvalue) =	ssetifvalue $0x7FFFFFFF  }
0x80: {  	[tilespmem:s22], [sflag:$0x1] =	stream.indirect_vreg.gather [hbm4b:s2+s11], $0x1, v2, vm0, $0x4038;
	[tilespmem:$0xEE00] =	vst v63  }
0x81: {  	s21 =	sadd.s32 s21, s16;
	v2 =	vadd.s32 $0x7A1400, v0;
	(ifvalue) =	ssetifvalue $0x7FFFFFFF  }
0x82: {  	s21 =	sor.u32 $0x380, s21;
	(ifvalue) =	ssetifvalue $0x7FFFFFFF  }
0x83: {  	s21 =	sadd.s32 s21, s15  }
0x84: {  	[tilespmem:s21], [sflag:$0x1] =	stream.indirect_vreg.gather [hbm4b:s2+s11], $0x1, v1, vm0, $0x4038;
	v1 =	vadd.s32 $0x7A1480, v0;
	[tilespmem:$0xEE00] =	vst v63  }
0x85: {  	s21 =	sadd.s32 $0x3800, s20;
	(ifvalue) =	ssetifvalue $0x7FFFFFFF  }
0x86: {  	(ifvalue) =	ssetifvalue $0x7FFFFFFF  }
0x87: {  	[tilespmem:s21], [sflag:$0x1] =	stream.indirect_vreg.gather [hbm4b:s2+s11], $0x1, v2, vm0, $0x4038;
	v2 =	vadd.s32 $0x7A1500, v0;
	[tilespmem:$0xEE00] =	vst v63  }
0x88: {  	s21 =	sadd.s32 $0x3880, s20;
	(ifvalue) =	ssetifvalue $0x7FFFFFFF  }
0x89: {  	(ifvalue) =	ssetifvalue $0x7FFFFFFF  }
0x8a: {  	[tilespmem:s21], [sflag:$0x1] =	stream.indirect_vreg.gather [hbm4b:s2+s11], $0x1, v1, vm0, $0x4038;
	v1 =	vadd.s32 $0x7A1580, v0;
	[tilespmem:$0xEE00] =	vst v63  }
0x8b: {  	s21 =	sadd.s32 $0x3900, s20;
	(ifvalue) =	ssetifvalue $0x7FFFFFFF  }
0x8c: {  	(ifvalue) =	ssetifvalue $0x7FFFFFFF  }
0x8d: {  	[tilespmem:s21], [sflag:$0x1] =	stream.indirect_vreg.gather [hbm4b:s2+s11], $0x1, v2, vm0, $0x4038;
	v2 =	vadd.s32 $0x7A1600, v0;
	[tilespmem:$0xEE00] =	vst v63  }
0x8e: {  	s21 =	sadd.s32 $0x3980, s20;
	(ifvalue) =	ssetifvalue $0x7FFFFFFF  }
0x8f: {  	(ifvalue) =	ssetifvalue $0x7FFFFFFF  }
0x90: {  	[tilespmem:s21], [sflag:$0x1] =	stream.indirect_vreg.gather [hbm4b:s2+s11], $0x1, v1, vm0, $0x4038;
	v1 =	vadd.s32 $0x7A1680, v0;
	[tilespmem:$0xEE00] =	vst v63  }
0x91: {  	s21 =	sadd.s32 $0x3A00, s20;
	(ifvalue) =	ssetifvalue $0x7FFFFFFF  }
0x92: {  	(ifvalue) =	ssetifvalue $0x7FFFFFFF  }
0x93: {  	[tilespmem:s21], [sflag:$0x1] =	stream.indirect_vreg.gather [hbm4b:s2+s11], $0x1, v2, vm0, $0x4038;
	v2 =	vadd.s32 $0x7A1700, v0;
	[tilespmem:$0xEE00] =	vst v63  }
0x94: {  	s21 =	sadd.s32 $0x3A80, s20;
	(ifvalue) =	ssetifvalue $0x7FFFFFFF  }
0x95: {  	(ifvalue) =	ssetifvalue $0x7FFFFFFF  }
0x96: {  	[tilespmem:s21], [sflag:$0x1] =	stream.indirect_vreg.gather [hbm4b:s2+s11], $0x1, v1, vm0, $0x4038;
	[tilespmem:$0xEE00] =	vst v63  }
.Ltmp3:
0x97: {  	v0 =	vadd.s32 $0x7A1780, v0;
	(pc) =	sbr.rel @p1 .LBB2_3-.Ltmp3, $4  }
0x98: {  	s21 =	sadd.s32 $0x3B00, s20;
	(ifvalue) =	ssetifvalue $0x7FFFFFFF  }
0x99: {  	(ifvalue) =	ssetifvalue $0x7FFFFFFF  }
0x9a: {  	[tilespmem:s21], [sflag:$0x1] =	stream.indirect_vreg.gather [hbm4b:s2+s11], $0x1, v2, vm0, $0x4038;
	[tilespmem:$0xEE00] =	vst v63  }
0x9b: {  	s18 =	sadd.s32 $0x10, s18;
	s20 =	sadd.s32 $0x3B80, s20;
	(ifvalue) =	ssetifvalue $0x7FFFFFFF  }
.Ltmp4:
0x9c: {  	_ = 	snop;
	(pc) =	sbr.rel .LBB2_4-.Ltmp4, $1  }
0x9d: {  	_ =	sdelay $0x3  }
.LBB2_6:
0x9e: {  	_ =	sfence.sel $0x180000  }
0x9f: {  	s2 =	simm.s32 $0x2;
	[bflag:$0x0] =	sbarrier.arrive $0xFFFF  }
0xa0: {  	s30 =	simm.s32 $0x3;
	[sflag:s2] =	ssyncpa.u1 $0x1  }
0xa1: {  	s31 =	simm.s32 $0x1;
	[sflag:s30] =	ssyncpa.u1 $0x1  }
0xa2: {  	[sflag:s31] =	ssyncpa.u1 $0x1  }
0xa3: {  	p0 =	sne.s32 s0, $0x0;
	_ =	strace $0x9000004A  }
0xa4: {  	s0 =	sadd.s32 @!p0 $0x100000, s1;
	[bflag:$0x2] =	sbarrier.arrive $0xFFFF  }
0xa5: {  	[sflag:s0] =	ssyncadd.tile.s32 @!p0 $0x1;
	_ =	shalt  }
.Lfunc_end2:
_tile_overlayer_lowered:
.L_overlay_start_2:
0xa6: {  	(tag) =	ssettag $0x2  }
0xa7: {  	s0 =	rddreg [dreg:$0x0];
	s2 =	stileid.u32  }
0xa8: {  	s1 =	rddreg [dreg:$0x1];
	p0 =	sne.s32 s2, $0x0  }
0xa9: {  	s3 =	rddreg [dreg:$0x2];
	[bflag:$0x3] =	sbarrier.arrive $0xFFFF;
	s2 =	simm.s32 @!p0 $0x1C01  }
0xaa: {  	[timem:s3], [sflag:s2] =	dma.local @!p0 [hbm:s0], s1  }
0xab: {  	s0 =	simm.s32 @!p0 $0x1  }
0xac: {  	_ =	swait.ge @!p0 [sflag:s0], s1  }
0xad: {  	s1 =	ssub.s32 @!p0 $0x0, s1;
	[sflag:s0] =	ssyncset.done @!p0 $0x0  }
0xae: {  	[sflag:s0] =	ssyncadd.s32 @!p0 s1  }
0xaf: {  	[bflag:$0x3] =	sbarrier.arrive $0xFFFF  }
0xb0: {  	_ =	shalt  }

// kernel: gather_offload_async_start
scs
__scs_entry_jumppad:
0x0: {  	(pc) =	sbr.rel $0x88, $3  }
0x1: {  	(tag) =	ssettag $0x0;
	lr =	simm.s32 $0x1  }
0x2: {  	[smem:$0x3F9A] =	sst lr;
	_ =	strace $0xD0000000  }
0x3: {  	_ = 	snop  }
0x4: {  	_ = 	snop  }
0x5: {  	_ = 	snop  }
0x6: {  	_ = 	snop  }
0x7: {  	_ = 	snop  }
__scs_overlays_trampoline_lowered:
0x8: {  	[smem:$0x3FA9] =	sst s0  }
0x9: {  	[smem:$0x3FAA] =	sst s1  }
0xa: {  	[smem:$0x3FAB] =	sst s2  }
0xb: {  	[smem:$0x3FAC] =	sst s3  }
0xc: {  	[smem:$0x3FAD] =	sst s4  }
0xd: {  	[smem:$0x3FAE] =	sst s5  }
0xe: {  	[smem:$0x3FAF] =	sst s6  }
0xf: {  	[smem:$0x3FB0] =	sst s7  }
0x10: {  	[smem:$0x3FB1] =	sst s8  }
0x11: {  	[smem:$0x3FB2] =	sst s9;
	s0 =	simm.s32 @!p0 $0x0  }
0x12: {  	s1 =	sld [smem:$0x3F98];
	s0 =	simm.s32 @p0 $0x1  }
0x13: {  	[smem:$0x3FB3] =	sst s0;
	s0 =	simm.s32 @!p1 $0x0  }
0x14: {  	s2 =	sld [smem:$0x3F97];
	s0 =	simm.s32 @p1 $0x1  }
0x15: {  	[smem:$0x3FB4] =	sst s0;
	s0 =	simm.s32 @!p2 $0x0  }
0x16: {  	s3 =	sld [smem:$0x3FDB];
	s0 =	simm.s32 @p2 $0x1  }
0x17: {  	s4 =	simm.s32 $0x1BF5;
	[smem:$0x3FB6] =	sst s0  }
0x18: {  	s0 =	sld [smem:$0x3F99];
	_ =	swait.ge [sflag:s4], $0x0  }
0x19: {  	s7 =	sld [smem:$0x3F9A]  }
0x1a: {  	s8 =	sadd.s32 $0xFFFFE003, lr  }
0x1b: {  	s9 =	sadd.s32 $0xFFFFFEF7, lr;
	s5 =	simm.s32 $0xFFFFFFFF;
	p2 =	slt.u32 s8, $0xFFFFF086  }
0x1c: {  	p1 =	slt.u32 s9, $0xF7A;
	s5 =	simm.s32 @!p2 $0x0  }
0x1d: {  	s5 =	simm.s32 @p1 $0x1;
	p0 =	seq.s32 s7, s2  }
0x1e: {  	s7 =	smul.u32 @!p0 $0xF7A, s2;
	p2 =	seq.s32 @!p0 s5, $0x0  }
0x1f: {  	s9 =	smul.u32 $0xF7A, s1;
	s8 =	simm.s32 @!p0 $0x1BF5;
	p2 =	por !p2, p0  }
0x20: {  	[sflag:s8] =	ssyncset.s32 @!p0 $0xFFFFF086;
	s6 =	sadd.s32 @!p0 s3, s7;
	s7 =	simm.s32 @!p0 $0x108  }
0x21: {  	s3 =	sadd.s32 s3, s9;
	s6 =	sadd.s32 @!p0 $0x88, s6;
	s7 =	simm.s32 @p2 $0x1082  }
0x22: {  	[simem:s7], [sflag:s8] =	dma.local @!p0 [hbm:s6], $0xF7A  }
0x23: {  	s9 =	sor.u32 $0xD0000000, s2;
	s6 =	simm.s32 $0x108;
	_ =	swait.ge @!p0 [sflag:s8], $0x0  }
0x24: {  	s3 =	sadd.s32 $0x88, s3;
	s6 =	simm.s32 @!p1 $0x1082;
	[sflag:s4] =	ssyncset.s32 $0xFFFFF086  }
0x25: {  	[simem:s6], [sflag:s4] =	dma.local [hbm:s3], $0xF7A  }
0x26: {  	[smem:$0x3F9A] =	sst s1;
	(tag) =	ssettag s2;
	_ =	strace s9  }
0x27: {  	s1 =	sld [smem:$0x3FAA]  }
0x28: {  	s2 =	sld [smem:$0x3FAB]  }
0x29: {  	s4 =	sld [smem:$0x3FAD]  }
0x2a: {  	p0 =	seq.s32 s5, $0x0;
	s5 =	sld [smem:$0x3FAE]  }
0x2b: {  	s6 =	sld [smem:$0x3FAF]  }
0x2c: {  	s7 =	sld [smem:$0x3FB0]  }
0x2d: {  	s3 =	simm.s32 $0x108;
	s8 =	sld [smem:$0x3FB1]  }
0x2e: {  	s3 =	simm.s32 @!p0 $0x1082;
	s9 =	sld [smem:$0x3FB2]  }
0x2f: {  	lr =	sadd.s32 s0, s3;
	s0 =	sld [smem:$0x3FA9]  }
0x30: {  	s3 =	sld [smem:$0x3FAC]  }
0x31: {  	[smem:$0x3FB5] =	sst s10  }
0x32: {  	s10 =	sld [smem:$0x3FB3];
	_ =	sdelay $0x3  }
0x33: {  	p0 =	seq.s32 s10, $0x1;
	s10 =	sld [smem:$0x3FB5];
	_ =	sdelay $0x3  }
0x34: {  	[smem:$0x3FB5] =	sst s10  }
0x35: {  	s10 =	sld [smem:$0x3FB4];
	_ =	sdelay $0x3  }
0x36: {  	p1 =	seq.s32 s10, $0x1;
	s10 =	sld [smem:$0x3FB5];
	_ =	sdelay $0x3  }
0x37: {  	[smem:$0x3FB5] =	sst s10  }
0x38: {  	s10 =	sld [smem:$0x3FB6]  }
0x39: {  	_ = 	snop;
	(pc) =	sbr.ind lr, $3  }
0x3a: {  	_ = 	snop  }
0x3b: {  	_ = 	snop  }
0x3c: {  	p2 =	seq.s32 s10, $0x1;
	s10 =	sld [smem:$0x3FB5]  }
0x3d: {  	_ =	shalt  }
0x3e: {  	_ =	shalt  }
0x3f: {  	_ =	shalt  }
0x40: {  	_ =	shalt  }
0x41: {  	_ =	shalt  }
0x42: {  	_ =	shalt  }
0x43: {  	_ =	shalt  }
0x44: {  	_ =	shalt  }
0x45: {  	_ =	shalt  }
0x46: {  	_ =	shalt  }
0x47: {  	_ =	shalt  }
0x48: {  	_ =	shalt  }
0x49: {  	_ =	shalt  }
0x4a: {  	_ =	shalt  }
0x4b: {  	_ =	shalt  }
0x4c: {  	_ =	shalt  }
0x4d: {  	_ =	shalt  }
0x4e: {  	_ =	shalt  }
0x4f: {  	_ =	shalt  }
0x50: {  	_ =	shalt  }
0x51: {  	_ =	shalt  }
0x52: {  	_ =	shalt  }
0x53: {  	_ =	shalt  }
0x54: {  	_ =	shalt  }
0x55: {  	_ =	shalt  }
0x56: {  	_ =	shalt  }
0x57: {  	_ =	shalt  }
0x58: {  	_ =	shalt  }
0x59: {  	_ =	shalt  }
0x5a: {  	_ =	shalt  }
0x5b: {  	_ =	shalt  }
0x5c: {  	_ =	shalt  }
0x5d: {  	_ =	shalt  }
0x5e: {  	_ =	shalt  }
0x5f: {  	_ =	shalt  }
0x60: {  	_ =	shalt  }
0x61: {  	_ =	shalt  }
0x62: {  	_ =	shalt  }
0x63: {  	_ =	shalt  }
0x64: {  	_ =	shalt  }
0x65: {  	_ =	shalt  }
0x66: {  	_ =	shalt  }
0x67: {  	_ =	shalt  }
0x68: {  	_ =	shalt  }
0x69: {  	_ =	shalt  }
0x6a: {  	_ =	shalt  }
0x6b: {  	_ =	shalt  }
0x6c: {  	_ =	shalt  }
0x6d: {  	_ =	shalt  }
0x6e: {  	_ =	shalt  }
0x6f: {  	_ =	shalt  }
0x70: {  	_ =	shalt  }
0x71: {  	_ =	shalt  }
0x72: {  	_ =	shalt  }
0x73: {  	_ =	shalt  }
0x74: {  	_ =	shalt  }
0x75: {  	_ =	shalt  }
0x76: {  	_ =	shalt  }
0x77: {  	_ =	shalt  }
0x78: {  	_ =	shalt  }
0x79: {  	_ =	shalt  }
0x7a: {  	_ =	shalt  }
0x7b: {  	_ =	shalt  }
0x7c: {  	_ =	shalt  }
0x7d: {  	_ =	shalt  }
0x7e: {  	_ =	shalt  }
0x7f: {  	_ =	shalt  }
0x80: {  	_ =	shalt  }
0x81: {  	_ =	shalt  }
0x82: {  	_ =	shalt  }
0x83: {  	_ =	shalt  }
0x84: {  	_ =	shalt  }
0x85: {  	_ =	shalt  }
0x86: {  	_ =	shalt  }
0x87: {  	_ =	shalt  }
.Lfunc_end0:
.L_simem_size_0:
called_computation_lowered:
.L_overlay_start_0:
0x88: {  	s2 =	sld [smem:$0x3FD9]  }
0x89: {  	s3 =	sld [smem:$0x3FFE];
	_ =	sdelay $0x1  }
0x8a: {  	s1 =	srdreg.scid  }
0x8b: {  	s0 =	sand.u32 $0x1, s1  }
0x8c: {  	s17 =	sshll.u32 s0, $0xA;
	s2 =	sadd.s32 s3, s2  }
0x8d: {  	s2 =	sadd.s32 s2, s17  }
0x8e: {  	[smem:$0x3FC1] =	sst s2  }
0x8f: {  	_ = 	snop  }
0x90: {  	s2 =	sld [smem:$0x3FC7];
	(tm) =	ssettm $0x1  }
0x91: {  	s18 =	sld [smem:$0x3FFB];
	_ =	sdelay $0x3  }
0x92: {  	_ =	strace s18  }
0x93: {  	s3 =	sld [smem:$0x3FFC];
	_ =	sdelay $0x3  }
0x94: {  	_ =	strace s3  }
0x95: {  	s3 =	sld [smem:$0x3FFD];
	_ =	sdelay $0x3  }
0x96: {  	_ =	strace s3  }
0x97: {  	_ =	strace $0x8FFFFFFF  }
0x98: {  	s19 =	sld [smem:$0x3FDB];
	_ =	sdelay $0x1  }
0x99: {  	s4 =	simm.s32 $_scs_section_size  }
0x9a: {  	s5 =	simm.s32 $_size__tile_overlayer_lowered;
	s6 =	simm.s32 $_tile_overlayer_lowered  }
0x9b: {  	s22 =	simm.s32 $0x1BFF;
	s21 =	sshll.u32 s6, $0x1;
	s3 =	sadd.s32 s4, s19  }
0x9c: {  	s7 =	simm.s32 $0x0;
	s20 =	sshll.u32 s5, $0x1;
	s5 =	sadd.s32 s21, s3  }
0x9d: {  	[timem:s7], [sflag:s22] =	dma.local [hbm:s5], s20  }
0x9e: {  	_ =	swait.ge [sflag:s22], s20  }
0x9f: {  	s4 =	ssub.s32 $0x0, s20;
	[sflag:s22] =	ssyncset.done $0x0  }
0xa0: {  	[sflag:s22] =	ssyncadd.s32 s4;
	_ =	sdelay $0x1  }
0xa1: {  	s23 =	simm.s32 $0x1B8B  }
0xa2: {  	_ =	swait.ge [sflag:s23], $0x1  }
0xa3: {  	[sflag:s23] =	ssyncset.done $0x0  }
0xa4: {  	s25 =	simm.s32 $0x1B8E;
	s24 =	sld [smem:$0x3FFE];
	[sflag:s23] =	ssyncadd.s32 $0xFFFFFFFF  }
0xa5: {  	s26 =	simm.s32 $execute0_lowered;
	[smem:$0x3FD2] =	sst s25  }
0xa6: {  	s5 =	sshll.u32 s26, $0x1;
	_ =	strace $0x80000046;
	[dreg:$0x1] =	wrdreg $0xFFFFFFFF  }
0xa7: {  	s28 =	simm.s32 $_size_execute0_lowered;
	s3 =	sadd.s32 s3, s5;
	[dreg:$0x0] =	wrdreg $0x0  }
0xa8: {  	s5 =	sshll.u32 s28, $0x1;
	[dreg:$0x2] =	wrdreg s3  }
0xa9: {  	[dreg:$0x3] =	wrdreg s5  }
0xaa: {  	[dreg:$0x4] =	wrdreg $0xC0  }
0xab: {  	_ =	task [dreg:s7], $0x5FFFF  }
0xac: {  	[dreg:$0x1] =	wrdreg $0xFFFFFFFF  }
0xad: {  	[dreg:$0x0] =	wrdreg $0x60  }
0xae: {  	[dreg:$0x2] =	wrdreg s2  }
0xaf: {  	[dreg:$0x3] =	wrdreg s24  }
0xb0: {  	[dreg:$0x4] =	wrdreg $0x9  }
0xb1: {  	_ =	task.clear_ibuf [dreg:s7], $0x5FFFF;
	_ =	strace $0x90000046  }
0xb2: {  	s29 =	simm.s32 $0x9;
	_ =	strace $0x80000048  }
0xb3: {  	_ =	swait.ge [sflag:s29], $0x1  }
0xb4: {  	[sflag:s29] =	ssyncadd.s32 $0xFFFFFFFF  }
0xb5: {  	_ =	strace $0x90000048  }
0xb6: {  	_ =	sfence  }
0xb7: {  	s30 =	sld [smem:$0x0];
	_ =	sdelay $0x2  }
0xb8: {  	s31 =	sshll.u32 s1, $0xD;
	s1 =	sshrl.u32 s1, $0x2  }
0xb9: {  	s3 =	sand.u32 $0x4000, s31;
	s1 =	sadd.s32 s1, s30  }
0xba: {  	s0 =	sor.u32 s3, s0;
	s1 =	sshll.u32 s1, $0x11  }
0xbb: {  	s0 =	sor.u32 s1, s0  }
0xbc: {  	s0 =	sadd.s32 $0x8F2B, s0  }
0xbd: {  	[sflag:s0] =	ssyncadd.remote.s32 $0x1  }
0xbe: {  	_ =	sfence.sel $0xFFFF  }
0xbf: {  	[dreg:$0x0] =	wrdreg $0xFFFFFFFF;
	(pc) =	sbr.abs _section_cstart, $3  }
0xc0: {  	[dreg:$0x1] =	wrdreg $0xFFFFFFFF  }
0xc1: {  	_ =	task.clear_ibuf [dreg:s7], $0x2FFFF;
	_ =	strace $0x9FFFFFFF  }
0xc2: {  	(tm) =	ssettm $0x7FFFFFFF  }
0xc3: {  	_ =	shalt  }
tec
execute0_lowered:
.L_overlay_start_1:
0x0: {  	(tag) =	ssettag $0x1  }
0x1: {  	s0 =	stileid.u32;
	s2 =	rddreg [dreg:$0x0]  }
0x2: {  	s1 =	srdreg.scid;
	s9 =	rddreg [dreg:$0x1]  }
0x3: {  	s4 =	simm.s32 $0x1;
	s6 =	simm.s32 $0x2;
	s11 =	simm.s32 $0x1  }
0x4: {  	s31 =	simm.s32 $0x3;
	s1 =	sand.u32 $0x1, s1;
	s3 =	sshll.u32 s0, $0x1  }
0x5: {  	s13 =	simm.s32 $0x0;
	s12 =	simm.s32 $0x0;
	s7 =	sor.u32 s3, s1  }
0x6: {  	s1 =	rddreg [dreg:$0x2];
	_ =	strace $0x80000047;
	s3 =	smul.u32 $0x300, s7  }
0x7: {  	[sflag:s4] =	ssyncpa.u1 $0x0;
	p0 =	seq.s32 s7, $0x0;
	s7 =	simm.s32 $0x6000  }
0x8: {  	s7 =	simm.s32 @!p0 $0x0;
	s11 =	simm.s32 @!p0 $0x0;
	[sflag:s6] =	ssyncpa.u1 $0x0  }
.Ltmp0:
0x9: {  	s5 =	sshrl.u32 s3, $0x3;
	s10 =	ssub.s32 $0x6000, s3;
	(pc) =	sbr.rel .LBB2_1-.Ltmp0, $4  }
0xa: {  	[sflag:s31] =	ssyncpa.u1 $0x0;
	p0 =	sne.s32 s10, s7;
	s7 =	simm.s32 $0x1  }
0xb: {  	s8 =	sadd.s32 s5, s9;
	s5 =	sadd.s32 $0x11600, s9;
	s7 =	simm.s32 @!p0 $0x0  }
0xc: {  	s9 =	sadd.s32 $0x17600, s9;
	s8 =	sadd.s32 $0x7E00, s8;
	s7 =	sadd.s32 s11, s7  }
0xd: {  	vm0 =	vmmov $0xffff;
	p0 =	por $0x0, $0x0;
	s11 =	simm.s32 $0x0;
	s10 =	sadd.s32 $0x1, s7  }
.LBB2_4:
0xe: {  	_ =	sdelay $0x3  }
0xf: {  	[tilespmem:s19], [sflag:$0x1] =	stream.indirect_vreg.gather [hbm4b:s2+s11], $0x1, v0, vm0, $0x4038;
	[tilespmem:$0x6600] =	vst v63  }
0x10: {  	_ =	swait.ge [sflag:s4], $0x3000  }
0x11: {  	[sflag:s4] =	ssyncset.done $0x0  }
0x12: {  	s16 =	sadd.s32 s5, s13;
	[sflag:s4] =	ssyncadd.s32 $0xFFFFD000  }
0x13: {  	[hbm:s16] =	stream.linear.scatter [tilespmem:s15], [sflag:$0x3], $0x1800, $0x38;
	[tilespmem:$0x6600] =	vst v63  }
0x14: {  	s14 =	sadd.s32 $0x1E00, s14;
	s31 =	sadd.s32 s13, s9  }
0x15: {  	[hbm:s31] =	stream.linear.scatter [tilespmem:s14], [sflag:$0x3], $0x1800, $0x38;
	[tilespmem:$0x6600] =	vst v63  }
.LBB2_5:
0x16: {  	p2 =	sne.s32 s12, s10  }
.Ltmp1:
0x17: {  	p1 =	slt.u32 s12, $0x2;
	(pc) =	sbr.rel @!p2 .LBB2_6-.Ltmp1, $4  }
0x18: {  	s13 =	simm.s32 @!p1 $0x3  }
0x19: {  	_ =	swait.ge @!p1 [sflag:s13], $0x3000  }
0x1a: {  	s14 =	sadd.s32 $0x1, s12;
	p0 =	por !p0, !p0;
	[sflag:s13] =	ssyncset.done @!p1 $0x0  }
0x1b: {  	s12 =	smov.u32 s14;
	[sflag:s13] =	ssyncadd.s32 @!p1 $0xFFFFD000;
	s13 =	smov.u32 s3  }
.LBB2_1:
0x1c: {  	p1 =	sge.u32 s12, s7  }
0x1d: {  	s14 =	sxor.u32 @!p1 $0x1, s12  }
0x1e: {  	s14 =	smul.u32 @!p1 $0xC00, s14;
	_ =	sdelay $0x1  }
0x1f: {  	s31 =	sadd.s32 $0xFFFFFFFF, s12;
	s15 =	simm.s32 @!p1 $0x0;
	s14 =	sshra.s32 @!p1 s14, $0x2  }
0x20: {  	[tilespmem:s14], [sflag:$0x2] =	stream.linear.gather @!p1 [hbm4b:s8+s15], $0x300, $0x38;
	[tilespmem:$0x6600] =	vst v63  }
0x21: {  	p1 =	sge.u32 s31, s7  }
.Ltmp2:
0x22: {  	_ = 	snop;
	(pc) =	sbr.rel @p1 .LBB2_5-.Ltmp2, $1  }
0x23: {  	_ =	sdelay $0x3  }
0x24: {  	s14 =	simm.s32 $0x1  }
0x25: {  	s14 =	simm.s32 @!p0 $0x0  }
0x26: {  	_ =	swait.ge [sflag:s6], $0x300;
	s14 =	smul.u32 $0xC00, s14  }
0x27: {  	[sflag:s6] =	ssyncset.done $0x0  }
0x28: {  	[sflag:s6] =	ssyncadd.s32 $0xFFFFFD00;
	s17 =	sshrl.u32 s14, $0x2  }
0x29: {  	v0 =	vld.msk [tilespmem:s17+$0x0 ss:$0x1], $0xffff;
	_ =	sdelay $0x4  }
0x2a: {  	vm1 =	vgt.s32 v0, $0x0  }
0x2b: {  	v0 =	vnsel vm1, $0x0, v0  }
0x2c: {  	v0 =	vmin.u32 v0, $0xF423F  }
0x2d: {  	s30 =	sand.u32 $0x1, s12;
	v1 =	vshll.u32 v0, $0x3  }
0x2e: {  	s14 =	smul.u32 $0xC000, s30;
	v0 =	vand.u32 $0x7F, v0;
	v1 =	vand.u32 $0x7FFC00, v1  }
0x2f: {  	v0 =	vor.u32 v0, v1  }
0x30: {  	s16 =	simm.s32 $0x0;
	s14 =	sshrl.u32 s14, $0x2  }
0x31: {  	s18 =	sand.u32 $0x1C00, s16;
	s15 =	sor.u32 $0x600, s14  }
0x32: {  	s19 =	sand.u32 $0x70, s16;
	(ifvalue) =	ssetifvalue $0x7FFFFFFF;
	s18 =	sadd.s32 s18, s15;
	v1 =	vor.u32 $0x80, v0  }
0x33: {  	(ifvalue) =	ssetifvalue $0x7FFFFFFF;
	s18 =	sadd.s32 s19, s18  }
0x34: {  	[tilespmem:s18], [sflag:$0x1] =	stream.indirect_vreg.gather [hbm4b:s2+s11], $0x1, v0, vm0, $0x4038;
	[tilespmem:$0x6600] =	vst v63  }
0x35: {  	v2 =	vor.u32 $0x100, v0;
	(ifvalue) =	ssetifvalue $0x7FFFFFFF  }
0x36: {  	s19 =	sadd.s32 $0x80, s18;
	(ifvalue) =	ssetifvalue $0x7FFFFFFF  }
0x37: {  	[tilespmem:s19], [sflag:$0x1] =	stream.indirect_vreg.gather [hbm4b:s2+s11], $0x1, v1, vm0, $0x4038;
	[tilespmem:$0x6600] =	vst v63  }
0x38: {  	v1 =	vor.u32 $0x180, v0;
	(ifvalue) =	ssetifvalue $0x7FFFFFFF  }
0x39: {  	s31 =	sadd.s32 $0x100, s18;
	(ifvalue) =	ssetifvalue $0x7FFFFFFF  }
0x3a: {  	[tilespmem:s31], [sflag:$0x1] =	stream.indirect_vreg.gather [hbm4b:s2+s11], $0x1, v2, vm0, $0x4038;
	[tilespmem:$0x6600] =	vst v63  }
0x3b: {  	v2 =	vor.u32 $0x200, v0;
	(ifvalue) =	ssetifvalue $0x7FFFFFFF  }
0x3c: {  	s20 =	sadd.s32 $0x180, s18;
	(ifvalue) =	ssetifvalue $0x7FFFFFFF  }
0x3d: {  	[tilespmem:s20], [sflag:$0x1] =	stream.indirect_vreg.gather [hbm4b:s2+s11], $0x1, v1, vm0, $0x4038;
	[tilespmem:$0x6600] =	vst v63  }
0x3e: {  	(ifvalue) =	ssetifvalue $0x7FFFFFFF;
	v1 =	vor.u32 $0x280, v0  }
0x3f: {  	s21 =	sadd.s32 $0x200, s18;
	(ifvalue) =	ssetifvalue $0x7FFFFFFF  }
0x40: {  	[tilespmem:s21], [sflag:$0x1] =	stream.indirect_vreg.gather [hbm4b:s2+s11], $0x1, v2, vm0, $0x4038;
	[tilespmem:$0x6600] =	vst v63  }
0x41: {  	(ifvalue) =	ssetifvalue $0x7FFFFFFF;
	v2 =	vor.u32 $0x300, v0  }
0x42: {  	s22 =	sadd.s32 $0x280, s18;
	(ifvalue) =	ssetifvalue $0x7FFFFFFF  }
0x43: {  	[tilespmem:s22], [sflag:$0x1] =	stream.indirect_vreg.gather [hbm4b:s2+s11], $0x1, v1, vm0, $0x4038;
	[tilespmem:$0x6600] =	vst v63  }
0x44: {  	(ifvalue) =	ssetifvalue $0x7FFFFFFF;
	v1 =	vor.u32 $0x380, v0  }
0x45: {  	s16 =	sor.u32 s16, s16;
	s23 =	sadd.s32 $0x300, s18;
	(ifvalue) =	ssetifvalue $0x7FFFFFFF  }
0x46: {  	[tilespmem:s23], [sflag:$0x1] =	stream.indirect_vreg.gather [hbm4b:s2+s11], $0x1, v2, vm0, $0x4038;
	[tilespmem:$0x6600] =	vst v63  }
0x47: {  	s16 =	sor.u32 $0x380, s16;
	(ifvalue) =	ssetifvalue $0x7FFFFFFF;
	v2 =	vadd.s32 $0x7A1400, v0  }
0x48: {  	s16 =	sadd.s32 s16, s15;
	(ifvalue) =	ssetifvalue $0x7FFFFFFF  }
0x49: {  	[tilespmem:s16], [sflag:$0x1] =	stream.indirect_vreg.gather [hbm4b:s2+s11], $0x1, v1, vm0, $0x4038;
	[tilespmem:$0x6600] =	vst v63  }
0x4a: {  	(ifvalue) =	ssetifvalue $0x7FFFFFFF;
	v1 =	vadd.s32 $0x7A1480, v0  }
0x4b: {  	s24 =	sadd.s32 $0x1800, s18;
	(ifvalue) =	ssetifvalue $0x7FFFFFFF  }
0x4c: {  	[tilespmem:s24], [sflag:$0x1] =	stream.indirect_vreg.gather [hbm4b:s2+s11], $0x1, v2, vm0, $0x4038;
	[tilespmem:$0x6600] =	vst v63  }
0x4d: {  	(ifvalue) =	ssetifvalue $0x7FFFFFFF;
	v2 =	vadd.s32 $0x7A1500, v0  }
0x4e: {  	s25 =	sadd.s32 $0x1880, s18;
	(ifvalue) =	ssetifvalue $0x7FFFFFFF  }
0x4f: {  	[tilespmem:s25], [sflag:$0x1] =	stream.indirect_vreg.gather [hbm4b:s2+s11], $0x1, v1, vm0, $0x4038;
	[tilespmem:$0x6600] =	vst v63  }
0x50: {  	(ifvalue) =	ssetifvalue $0x7FFFFFFF;
	v1 =	vadd.s32 $0x7A1580, v0  }
0x51: {  	s26 =	sadd.s32 $0x1900, s18;
	(ifvalue) =	ssetifvalue $0x7FFFFFFF  }
0x52: {  	[tilespmem:s26], [sflag:$0x1] =	stream.indirect_vreg.gather [hbm4b:s2+s11], $0x1, v2, vm0, $0x4038;
	[tilespmem:$0x6600] =	vst v63  }
0x53: {  	(ifvalue) =	ssetifvalue $0x7FFFFFFF;
	v2 =	vadd.s32 $0x7A1600, v0  }
0x54: {  	s28 =	sadd.s32 $0x1980, s18;
	(ifvalue) =	ssetifvalue $0x7FFFFFFF  }
0x55: {  	[tilespmem:s28], [sflag:$0x1] =	stream.indirect_vreg.gather [hbm4b:s2+s11], $0x1, v1, vm0, $0x4038;
	[tilespmem:$0x6600] =	vst v63  }
0x56: {  	(ifvalue) =	ssetifvalue $0x7FFFFFFF;
	v1 =	vadd.s32 $0x7A1680, v0  }
0x57: {  	s29 =	sadd.s32 $0x1A00, s18;
	(ifvalue) =	ssetifvalue $0x7FFFFFFF  }
0x58: {  	[tilespmem:s29], [sflag:$0x1] =	stream.indirect_vreg.gather [hbm4b:s2+s11], $0x1, v2, vm0, $0x4038;
	[tilespmem:$0x6600] =	vst v63  }
0x59: {  	(ifvalue) =	ssetifvalue $0x7FFFFFFF;
	v2 =	vadd.s32 $0x7A1700, v0  }
0x5a: {  	s30 =	sadd.s32 $0x1A80, s18;
	(ifvalue) =	ssetifvalue $0x7FFFFFFF  }
0x5b: {  	[tilespmem:s30], [sflag:$0x1] =	stream.indirect_vreg.gather [hbm4b:s2+s11], $0x1, v1, vm0, $0x4038;
	[tilespmem:$0x6600] =	vst v63  }
0x5c: {  	v0 =	vadd.s32 $0x7A1780, v0;
	(ifvalue) =	ssetifvalue $0x7FFFFFFF  }
0x5d: {  	s31 =	sadd.s32 $0x1B00, s18;
	(ifvalue) =	ssetifvalue $0x7FFFFFFF  }
0x5e: {  	[tilespmem:s31], [sflag:$0x1] =	stream.indirect_vreg.gather [hbm4b:s2+s11], $0x1, v2, vm0, $0x4038;
	[tilespmem:$0x6600] =	vst v63  }
0x5f: {  	s17 =	sadd.s32 $0x10, s17;
	s19 =	sadd.s32 $0x1B80, s18;
	(ifvalue) =	ssetifvalue $0x7FFFFFFF  }
0x60: {  	s18 =	simm.s32 $0x80;
	s16 =	simm.s32 $0x10;
	(ifvalue) =	ssetifvalue $0x7FFFFFFF  }
.LBB2_3:
0x61: {  	[tilespmem:s19], [sflag:$0x1] =	stream.indirect_vreg.gather [hbm4b:s2+s11], $0x1, v0, vm0, $0x4038;
	[tilespmem:$0x6600] =	vst v63  }
0x62: {  	p1 =	sne.s32 s16, $0x2F0;
	s20 =	smov.u32 s16;
	s16 =	sadd.s32 $0x10, s16;
	v0 =	vld.msk [tilespmem:s17+$0x0 ss:$0x1], $0xffff  }
0x63: {  	(ifvalue) =	ssetifvalue $0x7FFFFFFF;
	_ =	sdelay $0x4  }
0x64: {  	vm1 =	vgt.s32 v0, $0x0  }
0x65: {  	v0 =	vnsel vm1, $0x0, v0  }
0x66: {  	v0 =	vmin.u32 v0, $0xF423F  }
0x67: {  	v1 =	vshll.u32 v0, $0x3  }
0x68: {  	v0 =	vand.u32 $0x7F, v0;
	v1 =	vand.u32 $0x7FFC00, v1  }
0x69: {  	v0 =	vor.u32 v0, v1;
	_ =	sdelay $0x1  }
0x6a: {  	s19 =	sand.u32 $0x1C00, s18  }
0x6b: {  	s21 =	sand.u32 $0x70, s20;
	s19 =	sadd.s32 s19, s15;
	v1 =	vor.u32 $0x80, v0  }
0x6c: {  	s19 =	sadd.s32 s21, s19;
	(ifvalue) =	ssetifvalue $0x7FFFFFFF  }
0x6d: {  	[tilespmem:s19], [sflag:$0x1] =	stream.indirect_vreg.gather [hbm4b:s2+s11], $0x1, v0, vm0, $0x4038;
	[tilespmem:$0x6600] =	vst v63  }
0x6e: {  	v2 =	vor.u32 $0x100, v0;
	(ifvalue) =	ssetifvalue $0x7FFFFFFF  }
0x6f: {  	s21 =	sadd.s32 $0x80, s19;
	(ifvalue) =	ssetifvalue $0x7FFFFFFF  }
0x70: {  	[tilespmem:s21], [sflag:$0x1] =	stream.indirect_vreg.gather [hbm4b:s2+s11], $0x1, v1, vm0, $0x4038;
	[tilespmem:$0x6600] =	vst v63  }
0x71: {  	v1 =	vor.u32 $0x180, v0;
	(ifvalue) =	ssetifvalue $0x7FFFFFFF  }
0x72: {  	s21 =	sadd.s32 $0x100, s19;
	(ifvalue) =	ssetifvalue $0x7FFFFFFF  }
0x73: {  	[tilespmem:s21], [sflag:$0x1] =	stream.indirect_vreg.gather [hbm4b:s2+s11], $0x1, v2, vm0, $0x4038;
	[tilespmem:$0x6600] =	vst v63  }
0x74: {  	v2 =	vor.u32 $0x200, v0;
	(ifvalue) =	ssetifvalue $0x7FFFFFFF  }
0x75: {  	s21 =	sadd.s32 $0x180, s19;
	(ifvalue) =	ssetifvalue $0x7FFFFFFF  }
0x76: {  	[tilespmem:s21], [sflag:$0x1] =	stream.indirect_vreg.gather [hbm4b:s2+s11], $0x1, v1, vm0, $0x4038;
	[tilespmem:$0x6600] =	vst v63  }
0x77: {  	v1 =	vor.u32 $0x280, v0;
	(ifvalue) =	ssetifvalue $0x7FFFFFFF  }
0x78: {  	s21 =	sadd.s32 $0x200, s19;
	(ifvalue) =	ssetifvalue $0x7FFFFFFF  }
0x79: {  	[tilespmem:s21], [sflag:$0x1] =	stream.indirect_vreg.gather [hbm4b:s2+s11], $0x1, v2, vm0, $0x4038;
	[tilespmem:$0x6600] =	vst v63  }
0x7a: {  	v2 =	vor.u32 $0x300, v0;
	(ifvalue) =	ssetifvalue $0x7FFFFFFF  }
0x7b: {  	s21 =	sadd.s32 $0x280, s19;
	(ifvalue) =	ssetifvalue $0x7FFFFFFF  }
0x7c: {  	[tilespmem:s21], [sflag:$0x1] =	stream.indirect_vreg.gather [hbm4b:s2+s11], $0x1, v1, vm0, $0x4038;
	[tilespmem:$0x6600] =	vst v63  }
0x7d: {  	v1 =	vor.u32 $0x380, v0;
	(ifvalue) =	ssetifvalue $0x7FFFFFFF  }
0x7e: {  	s20 =	sor.u32 s18, s20;
	s21 =	sadd.s32 $0x300, s19;
	(ifvalue) =	ssetifvalue $0x7FFFFFFF  }
0x7f: {  	[tilespmem:s21], [sflag:$0x1] =	stream.indirect_vreg.gather [hbm4b:s2+s11], $0x1, v2, vm0, $0x4038;
	[tilespmem:$0x6600] =	vst v63  }
0x80: {  	s20 =	sor.u32 $0x380, s20;
	v2 =	vadd.s32 $0x7A1400, v0;
	(ifvalue) =	ssetifvalue $0x7FFFFFFF  }
0x81: {  	s20 =	sadd.s32 s20, s15;
	(ifvalue) =	ssetifvalue $0x7FFFFFFF  }
0x82: {  	[tilespmem:s20], [sflag:$0x1] =	stream.indirect_vreg.gather [hbm4b:s2+s11], $0x1, v1, vm0, $0x4038;
	[tilespmem:$0x6600] =	vst v63  }
0x83: {  	v1 =	vadd.s32 $0x7A1480, v0;
	(ifvalue) =	ssetifvalue $0x7FFFFFFF  }
0x84: {  	s20 =	sadd.s32 $0x1800, s19;
	(ifvalue) =	ssetifvalue $0x7FFFFFFF  }
0x85: {  	[tilespmem:s20], [sflag:$0x1] =	stream.indirect_vreg.gather [hbm4b:s2+s11], $0x1, v2, vm0, $0x4038;
	[tilespmem:$0x6600] =	vst v63  }
0x86: {  	v2 =	vadd.s32 $0x7A1500, v0;
	(ifvalue) =	ssetifvalue $0x7FFFFFFF  }
0x87: {  	s20 =	sadd.s32 $0x1880, s19;
	(ifvalue) =	ssetifvalue $0x7FFFFFFF  }
0x88: {  	[tilespmem:s20], [sflag:$0x1] =	stream.indirect_vreg.gather [hbm4b:s2+s11], $0x1, v1, vm0, $0x4038;
	[tilespmem:$0x6600] =	vst v63  }
0x89: {  	v1 =	vadd.s32 $0x7A1580, v0;
	(ifvalue) =	ssetifvalue $0x7FFFFFFF  }
0x8a: {  	s20 =	sadd.s32 $0x1900, s19;
	(ifvalue) =	ssetifvalue $0x7FFFFFFF  }
0x8b: {  	[tilespmem:s20], [sflag:$0x1] =	stream.indirect_vreg.gather [hbm4b:s2+s11], $0x1, v2, vm0, $0x4038;
	[tilespmem:$0x6600] =	vst v63  }
0x8c: {  	v2 =	vadd.s32 $0x7A1600, v0;
	(ifvalue) =	ssetifvalue $0x7FFFFFFF  }
0x8d: {  	s20 =	sadd.s32 $0x1980, s19;
	(ifvalue) =	ssetifvalue $0x7FFFFFFF  }
0x8e: {  	[tilespmem:s20], [sflag:$0x1] =	stream.indirect_vreg.gather [hbm4b:s2+s11], $0x1, v1, vm0, $0x4038;
	[tilespmem:$0x6600] =	vst v63  }
0x8f: {  	v1 =	vadd.s32 $0x7A1680, v0;
	(ifvalue) =	ssetifvalue $0x7FFFFFFF  }
0x90: {  	s20 =	sadd.s32 $0x1A00, s19;
	(ifvalue) =	ssetifvalue $0x7FFFFFFF  }
0x91: {  	[tilespmem:s20], [sflag:$0x1] =	stream.indirect_vreg.gather [hbm4b:s2+s11], $0x1, v2, vm0, $0x4038;
	[tilespmem:$0x6600] =	vst v63  }
0x92: {  	v2 =	vadd.s32 $0x7A1700, v0;
	(ifvalue) =	ssetifvalue $0x7FFFFFFF  }
0x93: {  	s20 =	sadd.s32 $0x1A80, s19;
	(ifvalue) =	ssetifvalue $0x7FFFFFFF  }
0x94: {  	[tilespmem:s20], [sflag:$0x1] =	stream.indirect_vreg.gather [hbm4b:s2+s11], $0x1, v1, vm0, $0x4038;
	[tilespmem:$0x6600] =	vst v63  }
.Ltmp3:
0x95: {  	v0 =	vadd.s32 $0x7A1780, v0;
	(ifvalue) =	ssetifvalue $0x7FFFFFFF;
	(pc) =	sbr.rel @p1 .LBB2_3-.Ltmp3, $4  }
0x96: {  	s20 =	sadd.s32 $0x1B00, s19;
	(ifvalue) =	ssetifvalue $0x7FFFFFFF  }
0x97: {  	[tilespmem:s20], [sflag:$0x1] =	stream.indirect_vreg.gather [hbm4b:s2+s11], $0x1, v2, vm0, $0x4038;
	[tilespmem:$0x6600] =	vst v63  }
0x98: {  	s17 =	sadd.s32 $0x10, s17;
	(ifvalue) =	ssetifvalue $0x7FFFFFFF  }
0x99: {  	s18 =	sadd.s32 $0x80, s18;
	s19 =	sadd.s32 $0x1B80, s19;
	(ifvalue) =	ssetifvalue $0x7FFFFFFF  }
.Ltmp4:
0x9a: {  	_ = 	snop;
	(pc) =	sbr.rel .LBB2_4-.Ltmp4, $1  }
0x9b: {  	_ =	sdelay $0x3  }
.LBB2_6:
0x9c: {  	_ =	sfence.sel $0x180000  }
0x9d: {  	s2 =	simm.s32 $0x2;
	[bflag:$0x0] =	sbarrier.arrive $0xFFFF  }
0x9e: {  	s30 =	simm.s32 $0x3;
	[sflag:s2] =	ssyncpa.u1 $0x1  }
0x9f: {  	s31 =	simm.s32 $0x1;
	[sflag:s30] =	ssyncpa.u1 $0x1  }
0xa0: {  	[sflag:s31] =	ssyncpa.u1 $0x1  }
0xa1: {  	p0 =	sne.s32 s0, $0x0;
	_ =	strace $0x90000047  }
0xa2: {  	s0 =	sadd.s32 @!p0 $0x100000, s1;
	[bflag:$0x2] =	sbarrier.arrive $0xFFFF  }
0xa3: {  	[sflag:s0] =	ssyncadd.tile.s32 @!p0 $0x1;
	_ =	shalt  }
.Lfunc_end2:
_tile_overlayer_lowered:
.L_overlay_start_2:
0xa4: {  	(tag) =	ssettag $0x2  }
0xa5: {  	s0 =	rddreg [dreg:$0x0];
	s2 =	stileid.u32  }
0xa6: {  	s1 =	rddreg [dreg:$0x1];
	p0 =	sne.s32 s2, $0x0  }
0xa7: {  	s3 =	rddreg [dreg:$0x2];
	[bflag:$0x3] =	sbarrier.arrive $0xFFFF;
	s2 =	simm.s32 @!p0 $0x1C01  }
0xa8: {  	[timem:s3], [sflag:s2] =	dma.local @!p0 [hbm:s0], s1  }
0xa9: {  	s0 =	simm.s32 @!p0 $0x1  }
0xaa: {  	_ =	swait.ge @!p0 [sflag:s0], s1  }
0xab: {  	s1 =	ssub.s32 @!p0 $0x0, s1;
	[sflag:s0] =	ssyncset.done @!p0 $0x0  }
0xac: {  	[sflag:s0] =	ssyncadd.s32 @!p0 s1  }
0xad: {  	[bflag:$0x3] =	sbarrier.arrive $0xFFFF  }
0xae: {  	_ =	shalt  }

</sc_bundles>
